<compile_context>
chip_gen: v7x
topology: tpu7x:2x2x1
jax: 0.10.2.dev20260603
libtpu: 0.0.44.dev20260713+nightly
codegen_flags: <defaults>
</compile_context>

<pallas_src>
import functools

import jax
import jax.numpy as jnp
from jax import lax
from jax.experimental import pallas as pl
from jax.experimental.pallas import tpu as pltpu
from jax.experimental.pallas import tpu_sc as plsc

NN = 10000
EE = 320000
DD = 128

NC = 2
NS = 16
NW = NC * NS

EPW = EE // NW
CHUNK = 100
NCHUNK = EPW // CHUNK

N_PAD = 10240
ROWS_PT = N_PAD // NS


def _sc_agg_body(x_hbm, src_hbm, dst_hbm, zero_hbm, out_hbm,
                 agg_sh, s_v, d_v, rows, sem):
    c = lax.axis_index("c")
    s = lax.axis_index("s")
    wid = s * NC + c

    pltpu.sync_copy(zero_hbm.at[pl.ds(s * ROWS_PT, ROWS_PT)],
                    agg_sh.at[pl.ds(s * ROWS_PT, ROWS_PT)])

    pltpu.sync_copy(src_hbm.at[wid], s_v)
    pltpu.sync_copy(dst_hbm.at[wid], d_v)
    plsc.subcore_barrier()

    def chunk_body(i, carry):
        pltpu.async_copy(x_hbm.at[s_v.at[i]], rows, sem).wait()
        pltpu.sync_copy(rows, agg_sh.at[d_v.at[i]], add=True)
        return carry

    lax.fori_loop(0, NCHUNK, chunk_body, 0)

    plsc.subcore_barrier()
    pltpu.sync_copy(agg_sh.at[pl.ds(s * ROWS_PT, ROWS_PT)],
                    out_hbm.at[c, pl.ds(s * ROWS_PT, ROWS_PT)])


_sc_agg = pl.kernel(
    _sc_agg_body,
    out_type=jax.ShapeDtypeStruct((NC, N_PAD, DD), jnp.float32),
    mesh=plsc.VectorSubcoreMesh(core_axis_name="c", subcore_axis_name="s"),
    scratch_types=[
        pltpu.VMEM_SHARED((N_PAD, DD), jnp.float32),
        pltpu.VMEM((NCHUNK, CHUNK), jnp.int32),
        pltpu.VMEM((NCHUNK, CHUNK), jnp.int32),
        pltpu.VMEM((CHUNK, DD), jnp.float32),
        pltpu.SemaphoreType.DMA,
    ],
)


def _mlp_block(x_ref, a_ref, w1_ref, b1_ref, w2_ref, b2_ref, o_ref,
               *, relu_out):
    h = x_ref[...] + a_ref[...]
    t = jnp.dot(h, w1_ref[...], preferred_element_type=jnp.float32)
    t = jnp.maximum(t + b1_ref[...], 0.0)
    o = jnp.dot(t, w2_ref[...], preferred_element_type=jnp.float32)
    o = o + b2_ref[...]
    if relu_out:
        o = jnp.maximum(o, 0.0)
    o_ref[...] = o


def _mlp(x, a, w1, b1, w2, b2, relu_out):
    blk = 1000
    grid = NN // blk
    row_spec = pl.BlockSpec((blk, DD), lambda i: (i, 0))
    w_spec = pl.BlockSpec((DD, DD), lambda i: (0, 0))
    b_spec = pl.BlockSpec((1, DD), lambda i: (0, 0))
    return pl.pallas_call(
        functools.partial(_mlp_block, relu_out=relu_out),
        grid=(grid,),
        in_specs=[row_spec, row_spec, w_spec, b_spec, w_spec, b_spec],
        out_specs=row_spec,
        out_shape=jax.ShapeDtypeStruct((NN, DD), jnp.float32),
    )(x, a, w1, b1.reshape(1, DD), w2, b2.reshape(1, DD))


def kernel(x, edge_index, W1_0, b1_0, W2_0, b2_0, W1_1, b1_1, W2_1, b2_1,
           W1_2, b1_2, W2_2, b2_2):
    src = edge_index[0].reshape(NW, NCHUNK, CHUNK)
    dst = edge_index[1].reshape(NW, NCHUNK, CHUNK)
    zero = jnp.zeros((N_PAD, DD), dtype=jnp.float32)

    h = x
    for (w1, b1, w2, b2, relu_out) in (
        (W1_0, b1_0, W2_0, b2_0, True),
        (W1_1, b1_1, W2_1, b2_1, True),
        (W1_2, b1_2, W2_2, b2_2, False),
    ):
        hin = lax.optimization_barrier(h * jnp.float32(1.0))
        parts = _sc_agg(hin, src, dst, zero)
        a = lax.optimization_barrier(parts[0, :NN] + parts[1, :NN])
        h = _mlp(h, a, w1, b1, w2, b2, relu_out)
    return h

# --- scband reference (transcript-rebuilt; emitter-appended) ---
"""Pipeline reference for scband-gin-decoder-88012469829886 (READ-ONLY COPY).

The authoritative reference and input builder live on the scoring server;
editing this copy changes nothing except your own understanding.
"""

import jax, jax.numpy as jnp
import numpy as np

N = 10000
E = 320000
D = 128
F = 128


def setup_inputs(seed: int = 0):
    key = jax.random.key(seed)
    ks = jax.random.split(key, 10)
    inp = {}
    inp['x'] = jax.random.normal(ks[0], (N, D), dtype=jnp.float32)
    inp['edge_index'] = jax.random.randint(ks[1], (2, E), 0, N, dtype=jnp.int32)
    dims = [(D, D, D, D), (D, D, D, D), (D, D, D, F)]
    k = 2
    for i, (i1, o1, i2, o2) in enumerate(dims):
        inp['W1_%d' % i] = jax.random.normal(ks[k], (i1, o1), dtype=jnp.float32) / np.sqrt(i1); k += 1
        inp['b1_%d' % i] = jnp.zeros((o1,), dtype=jnp.float32)
        inp['W2_%d' % i] = jax.random.normal(ks[k], (i2, o2), dtype=jnp.float32) / np.sqrt(i2); k += 1
        inp['b2_%d' % i] = jnp.zeros((o2,), dtype=jnp.float32)
    return inp


def _gin_conv(x, src, dst, W1, b1, W2, b2):
    # GINConv: nn((1 + eps) * x + sum_{j in N(i)} x_j), eps = 0 (PyG default)
    agg = jax.ops.segment_sum(x[src], dst, num_segments=N)
    h = x + agg
    h = jnp.maximum(h @ W1 + b1, 0.0)
    h = h @ W2 + b2
    return h


def reference(x, edge_index, W1_0, b1_0, W2_0, b2_0, W1_1, b1_1, W2_1, b2_1, W1_2, b1_2, W2_2, b2_2):
    src = edge_index[0]
    dst = edge_index[1]
    h = jnp.maximum(_gin_conv(x, src, dst, W1_0, b1_0, W2_0, b2_0), 0.0)
    h = jnp.maximum(_gin_conv(h, src, dst, W1_1, b1_1, W2_1, b2_1), 0.0)
    h = _gin_conv(h, src, dst, W1_2, b1_2, W2_2, b2_2)
    return h

if __name__ == "__main__":
    import jax
    _d = setup_inputs()
    print(jax.jit(kernel)(*tuple(_d.values())))

</pallas_src>

<mosaic_0001>
#map = affine_map<(d0, d1) -> (0, 0)>
#map1 = affine_map<(d0, d1) -> (0, 0, 0)>
module attributes {stable_mosaic.version = 14 : i64} {
  func.func @_sc_agg_body(%arg0: i32, %arg1: i32, %arg2: memref<10000x128xf32, #tpu.memory_space<hbm>>, %arg3: memref<32x100x100xi32, #tpu.memory_space<hbm>>, %arg4: memref<32x100x100xi32, #tpu.memory_space<hbm>>, %arg5: memref<10240x128xf32, #tpu.memory_space<hbm>>, %arg6: memref<2x10240x128xf32, #tpu.memory_space<hbm>>, %arg7: memref<10240x128xf32, #tpu.memory_space<vmem_shared>>, %arg8: memref<100x100xi32, #tpu.memory_space<vmem>>, %arg9: memref<100x100xi32, #tpu.memory_space<vmem>>, %arg10: memref<100x128xf32, #tpu.memory_space<vmem>>, %arg11: memref<!tpu.dma_semaphore, #tpu.memory_space<semaphore_mem>>) attributes {dimension_semantics = [#tpu.dimension_semantics<core_parallel>, #tpu.dimension_semantics<subcore_parallel>], iteration_bounds = array<i64: 2, 16>, scalar_prefetch = 0 : i64, scratch_operands = 5 : i64, tpu.core_type = #tpu.core_type<sc_vector_subcore>, window_params = [{transform_indices = #map}, {transform_indices = #map1}, {transform_indices = #map1}, {transform_indices = #map}, {transform_indices = #map1}]} {
    %mul3A = arith.constant 2 : i32
    %mul3A_0 = arith.muli %arg1, %mul3A : i32
    %add3A = arith.addi %mul3A_0, %arg0 : i32
    %mul3A_1 = arith.constant 640 : i32
    %mul3A_2 = arith.muli %arg1, %mul3A_1 : i32
    %mul3A_3 = arith.constant 640 : i32
    %mul3A_4 = arith.muli %arg1, %mul3A_3 : i32
    "tpu.region"() ({
      %run_scoped3A = tpu.sem_alloc : memref<!tpu.dma_semaphore, #tpu.memory_space<semaphore_mem>>
      %dma_start3A = arith.constant 0 : i32
      %dma_start3A_15 = tpu.memref_slice %arg7[%mul3A_4, %dma_start3A] : memref<10240x128xf32, #tpu.memory_space<vmem_shared>> -> memref<640x128xf32, #tpu.memory_space<vmem_shared>>
      %dma_start3A_16 = arith.constant 0 : i32
      %dma_start3A_17 = tpu.memref_slice %arg5[%mul3A_2, %dma_start3A_16] : memref<10240x128xf32, #tpu.memory_space<hbm>> -> memref<640x128xf32, #tpu.memory_space<hbm>>
      tpu.enqueue_dma source(%dma_start3A_17 : memref<640x128xf32, #tpu.memory_space<hbm>>) target(%dma_start3A_15 : memref<640x128xf32, #tpu.memory_space<vmem_shared>>) target_semaphore(%run_scoped3A : memref<!tpu.dma_semaphore, #tpu.memory_space<semaphore_mem>>)
      %dma_wait3A = arith.constant 0 : i32
      %dma_wait3A_18 = tpu.memref_slice %arg7[%mul3A_4, %dma_wait3A] : memref<10240x128xf32, #tpu.memory_space<vmem_shared>> -> memref<640x128xf32, #tpu.memory_space<vmem_shared>>
      %dma_wait3A_19 = arith.constant 0 : i32
      %dma_wait3A_20 = tpu.memref_slice %arg5[%mul3A_2, %dma_wait3A_19] : memref<10240x128xf32, #tpu.memory_space<hbm>> -> memref<640x128xf32, #tpu.memory_space<hbm>>
      tpu.wait_dma2 semaphore(%run_scoped3A : memref<!tpu.dma_semaphore, #tpu.memory_space<semaphore_mem>>) src(%dma_wait3A_20 : memref<640x128xf32, #tpu.memory_space<hbm>>) dst(%dma_wait3A_18 : memref<640x128xf32, #tpu.memory_space<vmem_shared>>)
      tpu.yield
    }) : () -> ()
    "tpu.region"() ({
      %run_scoped3A = tpu.sem_alloc : memref<!tpu.dma_semaphore, #tpu.memory_space<semaphore_mem>>
      %dma_start3A = arith.constant 0 : i32
      %dma_start3A_15 = arith.constant 0 : i32
      %dma_start3A_16 = tpu.memref_slice %arg3[%add3A, %dma_start3A, %dma_start3A_15] : memref<32x100x100xi32, #tpu.memory_space<hbm>> -> memref<1x100x100xi32, #tpu.memory_space<hbm>>
      %dma_start3A_17 = tpu.memref_squeeze %dma_start3A_16 : memref<1x100x100xi32, #tpu.memory_space<hbm>> -> memref<100x100xi32, #tpu.memory_space<hbm>>
      %dma_start3A_18 = arith.constant 0 : i32
      %dma_start3A_19 = arith.constant 0 : i32
      %dma_start3A_20 = tpu.memref_slice %arg3[%add3A, %dma_start3A_18, %dma_start3A_19] : memref<32x100x100xi32, #tpu.memory_space<hbm>> -> memref<1x100x100xi32, #tpu.memory_space<hbm>>
      %dma_start3A_21 = tpu.memref_squeeze %dma_start3A_20 : memref<1x100x100xi32, #tpu.memory_space<hbm>> -> memref<100x100xi32, #tpu.memory_space<hbm>>
      tpu.enqueue_dma source(%dma_start3A_21 : memref<100x100xi32, #tpu.memory_space<hbm>>) target(%arg8 : memref<100x100xi32, #tpu.memory_space<vmem>>) target_semaphore(%run_scoped3A : memref<!tpu.dma_semaphore, #tpu.memory_space<semaphore_mem>>)
      %dma_wait3A = arith.constant 0 : i32
      %dma_wait3A_22 = arith.constant 0 : i32
      %dma_wait3A_23 = tpu.memref_slice %arg3[%add3A, %dma_wait3A, %dma_wait3A_22] : memref<32x100x100xi32, #tpu.memory_space<hbm>> -> memref<1x100x100xi32, #tpu.memory_space<hbm>>
      %dma_wait3A_24 = tpu.memref_squeeze %dma_wait3A_23 : memref<1x100x100xi32, #tpu.memory_space<hbm>> -> memref<100x100xi32, #tpu.memory_space<hbm>>
      %dma_wait3A_25 = arith.constant 0 : i32
      %dma_wait3A_26 = arith.constant 0 : i32
      %dma_wait3A_27 = tpu.memref_slice %arg3[%add3A, %dma_wait3A_25, %dma_wait3A_26] : memref<32x100x100xi32, #tpu.memory_space<hbm>> -> memref<1x100x100xi32, #tpu.memory_space<hbm>>
      %dma_wait3A_28 = tpu.memref_squeeze %dma_wait3A_27 : memref<1x100x100xi32, #tpu.memory_space<hbm>> -> memref<100x100xi32, #tpu.memory_space<hbm>>
      tpu.wait_dma2 semaphore(%run_scoped3A : memref<!tpu.dma_semaphore, #tpu.memory_space<semaphore_mem>>) src(%dma_wait3A_28 : memref<100x100xi32, #tpu.memory_space<hbm>>) dst(%arg8 : memref<100x100xi32, #tpu.memory_space<vmem>>)
      tpu.yield
    }) : () -> ()
    "tpu.region"() ({
      %run_scoped3A = tpu.sem_alloc : memref<!tpu.dma_semaphore, #tpu.memory_space<semaphore_mem>>
      %dma_start3A = arith.constant 0 : i32
      %dma_start3A_15 = arith.constant 0 : i32
      %dma_start3A_16 = tpu.memref_slice %arg4[%add3A, %dma_start3A, %dma_start3A_15] : memref<32x100x100xi32, #tpu.memory_space<hbm>> -> memref<1x100x100xi32, #tpu.memory_space<hbm>>
      %dma_start3A_17 = tpu.memref_squeeze %dma_start3A_16 : memref<1x100x100xi32, #tpu.memory_space<hbm>> -> memref<100x100xi32, #tpu.memory_space<hbm>>
      %dma_start3A_18 = arith.constant 0 : i32
      %dma_start3A_19 = arith.constant 0 : i32
      %dma_start3A_20 = tpu.memref_slice %arg4[%add3A, %dma_start3A_18, %dma_start3A_19] : memref<32x100x100xi32, #tpu.memory_space<hbm>> -> memref<1x100x100xi32, #tpu.memory_space<hbm>>
      %dma_start3A_21 = tpu.memref_squeeze %dma_start3A_20 : memref<1x100x100xi32, #tpu.memory_space<hbm>> -> memref<100x100xi32, #tpu.memory_space<hbm>>
      tpu.enqueue_dma source(%dma_start3A_21 : memref<100x100xi32, #tpu.memory_space<hbm>>) target(%arg9 : memref<100x100xi32, #tpu.memory_space<vmem>>) target_semaphore(%run_scoped3A : memref<!tpu.dma_semaphore, #tpu.memory_space<semaphore_mem>>)
      %dma_wait3A = arith.constant 0 : i32
      %dma_wait3A_22 = arith.constant 0 : i32
      %dma_wait3A_23 = tpu.memref_slice %arg4[%add3A, %dma_wait3A, %dma_wait3A_22] : memref<32x100x100xi32, #tpu.memory_space<hbm>> -> memref<1x100x100xi32, #tpu.memory_space<hbm>>
      %dma_wait3A_24 = tpu.memref_squeeze %dma_wait3A_23 : memref<1x100x100xi32, #tpu.memory_space<hbm>> -> memref<100x100xi32, #tpu.memory_space<hbm>>
      %dma_wait3A_25 = arith.constant 0 : i32
      %dma_wait3A_26 = arith.constant 0 : i32
      %dma_wait3A_27 = tpu.memref_slice %arg4[%add3A, %dma_wait3A_25, %dma_wait3A_26] : memref<32x100x100xi32, #tpu.memory_space<hbm>> -> memref<1x100x100xi32, #tpu.memory_space<hbm>>
      %dma_wait3A_28 = tpu.memref_squeeze %dma_wait3A_27 : memref<1x100x100xi32, #tpu.memory_space<hbm>> -> memref<100x100xi32, #tpu.memory_space<hbm>>
      tpu.wait_dma2 semaphore(%run_scoped3A : memref<!tpu.dma_semaphore, #tpu.memory_space<semaphore_mem>>) src(%dma_wait3A_28 : memref<100x100xi32, #tpu.memory_space<hbm>>) dst(%arg9 : memref<100x100xi32, #tpu.memory_space<vmem>>)
      tpu.yield
    }) : () -> ()
    %barrier3A = arith.constant 0 : index
    tpu.barrier barrier_id(%barrier3A)
    %scan3A = arith.constant 0 : i32
    %scan3A_5 = arith.constant 0 : i32
    %scan3A_6 = arith.constant 100 : i32
    %scan3A_7 = arith.addi %scan3A_5, %scan3A_6 : i32
    %scan3A_8 = arith.constant 1 : i32
    scf.for %scan3A_15 = %scan3A_5 to %scan3A_7 step %scan3A_8  : i32 {
      %dma_start3A = arith.constant 0 : i32
      %dma_start3A_16 = tpu.memref_slice %arg8[%scan3A_15, %dma_start3A] : memref<100x100xi32, #tpu.memory_space<vmem>> -> memref<1x100xi32, #tpu.memory_space<vmem>>
      %dma_start3A_17 = tpu.memref_squeeze %dma_start3A_16 : memref<1x100xi32, #tpu.memory_space<vmem>> -> memref<100xi32, #tpu.memory_space<vmem>>
      %dma_start3A_18 = arith.constant 0 : i32
      %dma_start3A_19 = arith.constant 0 : i32
      %dma_start3A_20 = tpu.memref_slice %arg2[%dma_start3A_18, %dma_start3A_19] : memref<10000x128xf32, #tpu.memory_space<hbm>> -> memref<10000x128xf32, #tpu.memory_space<hbm>>
      tpu.enqueue_indirect_dma source(%dma_start3A_20 : memref<10000x128xf32, #tpu.memory_space<hbm>>) target(%arg10 : memref<100x128xf32, #tpu.memory_space<vmem>>) offsets(%dma_start3A_17 : memref<100xi32, #tpu.memory_space<vmem>>) semaphore(%arg11 : memref<!tpu.dma_semaphore, #tpu.memory_space<semaphore_mem>>)
      %dma_wait3A = arith.constant 0 : i32
      %dma_wait3A_21 = tpu.memref_slice %arg8[%scan3A_15, %dma_wait3A] : memref<100x100xi32, #tpu.memory_space<vmem>> -> memref<1x100xi32, #tpu.memory_space<vmem>>
      %dma_wait3A_22 = tpu.memref_squeeze %dma_wait3A_21 : memref<1x100xi32, #tpu.memory_space<vmem>> -> memref<100xi32, #tpu.memory_space<vmem>>
      %dma_wait3A_23 = arith.constant 0 : i32
      %dma_wait3A_24 = arith.constant 0 : i32
      %dma_wait3A_25 = tpu.memref_slice %arg2[%dma_wait3A_23, %dma_wait3A_24] : memref<10000x128xf32, #tpu.memory_space<hbm>> -> memref<10000x128xf32, #tpu.memory_space<hbm>>
      tpu.wait_indirect_dma semaphore(%arg11 : memref<!tpu.dma_semaphore, #tpu.memory_space<semaphore_mem>>) src(%dma_wait3A_25 : memref<10000x128xf32, #tpu.memory_space<hbm>>) dst(%arg10 : memref<100x128xf32, #tpu.memory_space<vmem>>)
      "tpu.region"() ({
        %run_scoped3A = tpu.sem_alloc : memref<!tpu.dma_semaphore, #tpu.memory_space<semaphore_mem>>
        %dma_start3A_26 = arith.constant 0 : i32
        %dma_start3A_27 = tpu.memref_slice %arg9[%scan3A_15, %dma_start3A_26] : memref<100x100xi32, #tpu.memory_space<vmem>> -> memref<1x100xi32, #tpu.memory_space<vmem>>
        %dma_start3A_28 = tpu.memref_squeeze %dma_start3A_27 : memref<1x100xi32, #tpu.memory_space<vmem>> -> memref<100xi32, #tpu.memory_space<vmem>>
        %dma_start3A_29 = arith.constant 0 : i32
        %dma_start3A_30 = arith.constant 0 : i32
        %dma_start3A_31 = tpu.memref_slice %arg7[%dma_start3A_29, %dma_start3A_30] : memref<10240x128xf32, #tpu.memory_space<vmem_shared>> -> memref<10240x128xf32, #tpu.memory_space<vmem_shared>>
        tpu.enqueue_indirect_dma source(%arg10 : memref<100x128xf32, #tpu.memory_space<vmem>>) target(%dma_start3A_31 : memref<10240x128xf32, #tpu.memory_space<vmem_shared>>) offsets(%dma_start3A_28 : memref<100xi32, #tpu.memory_space<vmem>>) semaphore(%run_scoped3A : memref<!tpu.dma_semaphore, #tpu.memory_space<semaphore_mem>>) {add = true}
        %dma_wait3A_32 = arith.constant 0 : i32
        %dma_wait3A_33 = tpu.memref_slice %arg9[%scan3A_15, %dma_wait3A_32] : memref<100x100xi32, #tpu.memory_space<vmem>> -> memref<1x100xi32, #tpu.memory_space<vmem>>
        %dma_wait3A_34 = tpu.memref_squeeze %dma_wait3A_33 : memref<1x100xi32, #tpu.memory_space<vmem>> -> memref<100xi32, #tpu.memory_space<vmem>>
        %dma_wait3A_35 = arith.constant 0 : i32
        %dma_wait3A_36 = arith.constant 0 : i32
        %dma_wait3A_37 = tpu.memref_slice %arg7[%dma_wait3A_35, %dma_wait3A_36] : memref<10240x128xf32, #tpu.memory_space<vmem_shared>> -> memref<10240x128xf32, #tpu.memory_space<vmem_shared>>
        tpu.wait_indirect_dma semaphore(%run_scoped3A : memref<!tpu.dma_semaphore, #tpu.memory_space<semaphore_mem>>) src(%arg10 : memref<100x128xf32, #tpu.memory_space<vmem>>) dst(%dma_wait3A_37 : memref<10240x128xf32, #tpu.memory_space<vmem_shared>>)
        tpu.yield
      }) : () -> ()
    }
    %scan3A_9 = arith.constant 100 : i32
    %barrier3A_10 = arith.constant 0 : index
    tpu.barrier barrier_id(%barrier3A_10)
    %mul3A_11 = arith.constant 640 : i32
    %mul3A_12 = arith.muli %arg1, %mul3A_11 : i32
    %mul3A_13 = arith.constant 640 : i32
    %mul3A_14 = arith.muli %arg1, %mul3A_13 : i32
    "tpu.region"() ({
      %run_scoped3A = tpu.sem_alloc : memref<!tpu.dma_semaphore, #tpu.memory_space<semaphore_mem>>
      %dma_start3A = arith.constant 0 : i32
      %dma_start3A_15 = tpu.memref_slice %arg6[%arg0, %mul3A_14, %dma_start3A] : memref<2x10240x128xf32, #tpu.memory_space<hbm>> -> memref<1x640x128xf32, #tpu.memory_space<hbm>>
      %dma_start3A_16 = tpu.memref_squeeze %dma_start3A_15 : memref<1x640x128xf32, #tpu.memory_space<hbm>> -> memref<640x128xf32, #tpu.memory_space<hbm>>
      %dma_start3A_17 = arith.constant 0 : i32
      %dma_start3A_18 = tpu.memref_slice %arg7[%mul3A_12, %dma_start3A_17] : memref<10240x128xf32, #tpu.memory_space<vmem_shared>> -> memref<640x128xf32, #tpu.memory_space<vmem_shared>>
      tpu.enqueue_dma source(%dma_start3A_18 : memref<640x128xf32, #tpu.memory_space<vmem_shared>>) target(%dma_start3A_16 : memref<640x128xf32, #tpu.memory_space<hbm>>) target_semaphore(%run_scoped3A : memref<!tpu.dma_semaphore, #tpu.memory_space<semaphore_mem>>)
      %dma_wait3A = arith.constant 0 : i32
      %dma_wait3A_19 = tpu.memref_slice %arg6[%arg0, %mul3A_14, %dma_wait3A] : memref<2x10240x128xf32, #tpu.memory_space<hbm>> -> memref<1x640x128xf32, #tpu.memory_space<hbm>>
      %dma_wait3A_20 = tpu.memref_squeeze %dma_wait3A_19 : memref<1x640x128xf32, #tpu.memory_space<hbm>> -> memref<640x128xf32, #tpu.memory_space<hbm>>
      %dma_wait3A_21 = arith.constant 0 : i32
      %dma_wait3A_22 = tpu.memref_slice %arg7[%mul3A_12, %dma_wait3A_21] : memref<10240x128xf32, #tpu.memory_space<vmem_shared>> -> memref<640x128xf32, #tpu.memory_space<vmem_shared>>
      tpu.wait_dma2 semaphore(%run_scoped3A : memref<!tpu.dma_semaphore, #tpu.memory_space<semaphore_mem>>) src(%dma_wait3A_22 : memref<640x128xf32, #tpu.memory_space<vmem_shared>>) dst(%dma_wait3A_20 : memref<640x128xf32, #tpu.memory_space<hbm>>)
      tpu.yield
    }) : () -> ()
    return
  }
}

#map = affine_map<(d0, d1) -> (0, 0)>
#map1 = affine_map<(d0, d1) -> (0, 0, 0)>
module attributes {stable_mosaic.version = 14 : i64} {
  func.func @_sc_agg_body(%arg0: i32, %arg1: i32, %arg2: memref<10000x128xf32, #tpu.memory_space<hbm>>, %arg3: memref<32x100x100xi32, #tpu.memory_space<hbm>>, %arg4: memref<32x100x100xi32, #tpu.memory_space<hbm>>, %arg5: memref<10240x128xf32, #tpu.memory_space<hbm>>, %arg6: memref<2x10240x128xf32, #tpu.memory_space<hbm>>, %arg7: memref<10240x128xf32, #tpu.memory_space<vmem_shared>>, %arg8: memref<100x100xi32, #tpu.memory_space<vmem>>, %arg9: memref<100x100xi32, #tpu.memory_space<vmem>>, %arg10: memref<100x128xf32, #tpu.memory_space<vmem>>, %arg11: memref<!tpu.dma_semaphore, #tpu.memory_space<semaphore_mem>>) attributes {dimension_semantics = [#tpu.dimension_semantics<core_parallel>, #tpu.dimension_semantics<subcore_parallel>], iteration_bounds = array<i64: 2, 16>, scalar_prefetch = 0 : i64, scratch_operands = 5 : i64, tpu.core_type = #tpu.core_type<sc_vector_subcore>, window_params = [{transform_indices = #map}, {transform_indices = #map1}, {transform_indices = #map1}, {transform_indices = #map}, {transform_indices = #map1}]} {
    %mul3A = arith.constant 2 : i32
    %mul3A_0 = arith.muli %arg1, %mul3A : i32
    %add3A = arith.addi %mul3A_0, %arg0 : i32
    %mul3A_1 = arith.constant 640 : i32
    %mul3A_2 = arith.muli %arg1, %mul3A_1 : i32
    %mul3A_3 = arith.constant 640 : i32
    %mul3A_4 = arith.muli %arg1, %mul3A_3 : i32
    "tpu.region"() ({
      %run_scoped3A = tpu.sem_alloc : memref<!tpu.dma_semaphore, #tpu.memory_space<semaphore_mem>>
      %dma_start3A = arith.constant 0 : i32
      %dma_start3A_15 = tpu.memref_slice %arg7[%mul3A_4, %dma_start3A] : memref<10240x128xf32, #tpu.memory_space<vmem_shared>> -> memref<640x128xf32, #tpu.memory_space<vmem_shared>>
      %dma_start3A_16 = arith.constant 0 : i32
      %dma_start3A_17 = tpu.memref_slice %arg5[%mul3A_2, %dma_start3A_16] : memref<10240x128xf32, #tpu.memory_space<hbm>> -> memref<640x128xf32, #tpu.memory_space<hbm>>
      tpu.enqueue_dma source(%dma_start3A_17 : memref<640x128xf32, #tpu.memory_space<hbm>>) target(%dma_start3A_15 : memref<640x128xf32, #tpu.memory_space<vmem_shared>>) target_semaphore(%run_scoped3A : memref<!tpu.dma_semaphore, #tpu.memory_space<semaphore_mem>>)
      %dma_wait3A = arith.constant 0 : i32
      %dma_wait3A_18 = tpu.memref_slice %arg7[%mul3A_4, %dma_wait3A] : memref<10240x128xf32, #tpu.memory_space<vmem_shared>> -> memref<640x128xf32, #tpu.memory_space<vmem_shared>>
      %dma_wait3A_19 = arith.constant 0 : i32
      %dma_wait3A_20 = tpu.memref_slice %arg5[%mul3A_2, %dma_wait3A_19] : memref<10240x128xf32, #tpu.memory_space<hbm>> -> memref<640x128xf32, #tpu.memory_space<hbm>>
      tpu.wait_dma2 semaphore(%run_scoped3A : memref<!tpu.dma_semaphore, #tpu.memory_space<semaphore_mem>>) src(%dma_wait3A_20 : memref<640x128xf32, #tpu.memory_space<hbm>>) dst(%dma_wait3A_18 : memref<640x128xf32, #tpu.memory_space<vmem_shared>>)
      tpu.yield
    }) : () -> ()
    "tpu.region"() ({
      %run_scoped3A = tpu.sem_alloc : memref<!tpu.dma_semaphore, #tpu.memory_space<semaphore_mem>>
      %dma_start3A = arith.constant 0 : i32
      %dma_start3A_15 = arith.constant 0 : i32
      %dma_start3A_16 = tpu.memref_slice %arg3[%add3A, %dma_start3A, %dma_start3A_15] : memref<32x100x100xi32, #tpu.memory_space<hbm>> -> memref<1x100x100xi32, #tpu.memory_space<hbm>>
      %dma_start3A_17 = tpu.memref_squeeze %dma_start3A_16 : memref<1x100x100xi32, #tpu.memory_space<hbm>> -> memref<100x100xi32, #tpu.memory_space<hbm>>
      %dma_start3A_18 = arith.constant 0 : i32
      %dma_start3A_19 = arith.constant 0 : i32
      %dma_start3A_20 = tpu.memref_slice %arg3[%add3A, %dma_start3A_18, %dma_start3A_19] : memref<32x100x100xi32, #tpu.memory_space<hbm>> -> memref<1x100x100xi32, #tpu.memory_space<hbm>>
      %dma_start3A_21 = tpu.memref_squeeze %dma_start3A_20 : memref<1x100x100xi32, #tpu.memory_space<hbm>> -> memref<100x100xi32, #tpu.memory_space<hbm>>
      tpu.enqueue_dma source(%dma_start3A_21 : memref<100x100xi32, #tpu.memory_space<hbm>>) target(%arg8 : memref<100x100xi32, #tpu.memory_space<vmem>>) target_semaphore(%run_scoped3A : memref<!tpu.dma_semaphore, #tpu.memory_space<semaphore_mem>>)
      %dma_wait3A = arith.constant 0 : i32
      %dma_wait3A_22 = arith.constant 0 : i32
      %dma_wait3A_23 = tpu.memref_slice %arg3[%add3A, %dma_wait3A, %dma_wait3A_22] : memref<32x100x100xi32, #tpu.memory_space<hbm>> -> memref<1x100x100xi32, #tpu.memory_space<hbm>>
      %dma_wait3A_24 = tpu.memref_squeeze %dma_wait3A_23 : memref<1x100x100xi32, #tpu.memory_space<hbm>> -> memref<100x100xi32, #tpu.memory_space<hbm>>
      %dma_wait3A_25 = arith.constant 0 : i32
      %dma_wait3A_26 = arith.constant 0 : i32
      %dma_wait3A_27 = tpu.memref_slice %arg3[%add3A, %dma_wait3A_25, %dma_wait3A_26] : memref<32x100x100xi32, #tpu.memory_space<hbm>> -> memref<1x100x100xi32, #tpu.memory_space<hbm>>
      %dma_wait3A_28 = tpu.memref_squeeze %dma_wait3A_27 : memref<1x100x100xi32, #tpu.memory_space<hbm>> -> memref<100x100xi32, #tpu.memory_space<hbm>>
      tpu.wait_dma2 semaphore(%run_scoped3A : memref<!tpu.dma_semaphore, #tpu.memory_space<semaphore_mem>>) src(%dma_wait3A_28 : memref<100x100xi32, #tpu.memory_space<hbm>>) dst(%arg8 : memref<100x100xi32, #tpu.memory_space<vmem>>)
      tpu.yield
    }) : () -> ()
    "tpu.region"() ({
      %run_scoped3A = tpu.sem_alloc : memref<!tpu.dma_semaphore, #tpu.memory_space<semaphore_mem>>
      %dma_start3A = arith.constant 0 : i32
      %dma_start3A_15 = arith.constant 0 : i32
      %dma_start3A_16 = tpu.memref_slice %arg4[%add3A, %dma_start3A, %dma_start3A_15] : memref<32x100x100xi32, #tpu.memory_space<hbm>> -> memref<1x100x100xi32, #tpu.memory_space<hbm>>
      %dma_start3A_17 = tpu.memref_squeeze %dma_start3A_16 : memref<1x100x100xi32, #tpu.memory_space<hbm>> -> memref<100x100xi32, #tpu.memory_space<hbm>>
      %dma_start3A_18 = arith.constant 0 : i32
      %dma_start3A_19 = arith.constant 0 : i32
      %dma_start3A_20 = tpu.memref_slice %arg4[%add3A, %dma_start3A_18, %dma_start3A_19] : memref<32x100x100xi32, #tpu.memory_space<hbm>> -> memref<1x100x100xi32, #tpu.memory_space<hbm>>
      %dma_start3A_21 = tpu.memref_squeeze %dma_start3A_20 : memref<1x100x100xi32, #tpu.memory_space<hbm>> -> memref<100x100xi32, #tpu.memory_space<hbm>>
      tpu.enqueue_dma source(%dma_start3A_21 : memref<100x100xi32, #tpu.memory_space<hbm>>) target(%arg9 : memref<100x100xi32, #tpu.memory_space<vmem>>) target_semaphore(%run_scoped3A : memref<!tpu.dma_semaphore, #tpu.memory_space<semaphore_mem>>)
      %dma_wait3A = arith.constant 0 : i32
      %dma_wait3A_22 = arith.constant 0 : i32
      %dma_wait3A_23 = tpu.memref_slice %arg4[%add3A, %dma_wait3A, %dma_wait3A_22] : memref<32x100x100xi32, #tpu.memory_space<hbm>> -> memref<1x100x100xi32, #tpu.memory_space<hbm>>
      %dma_wait3A_24 = tpu.memref_squeeze %dma_wait3A_23 : memref<1x100x100xi32, #tpu.memory_space<hbm>> -> memref<100x100xi32, #tpu.memory_space<hbm>>
      %dma_wait3A_25 = arith.constant 0 : i32
      %dma_wait3A_26 = arith.constant 0 : i32
      %dma_wait3A_27 = tpu.memref_slice %arg4[%add3A, %dma_wait3A_25, %dma_wait3A_26] : memref<32x100x100xi32, #tpu.memory_space<hbm>> -> memref<1x100x100xi32, #tpu.memory_space<hbm>>
      %dma_wait3A_28 = tpu.memref_squeeze %dma_wait3A_27 : memref<1x100x100xi32, #tpu.memory_space<hbm>> -> memref<100x100xi32, #tpu.memory_space<hbm>>
      tpu.wait_dma2 semaphore(%run_scoped3A : memref<!tpu.dma_semaphore, #tpu.memory_space<semaphore_mem>>) src(%dma_wait3A_28 : memref<100x100xi32, #tpu.memory_space<hbm>>) dst(%arg9 : memref<100x100xi32, #tpu.memory_space<vmem>>)
      tpu.yield
    }) : () -> ()
    %barrier3A = arith.constant 0 : index
    tpu.barrier barrier_id(%barrier3A)
    %scan3A = arith.constant 0 : i32
    %scan3A_5 = arith.constant 0 : i32
    %scan3A_6 = arith.constant 100 : i32
    %scan3A_7 = arith.addi %scan3A_5, %scan3A_6 : i32
    %scan3A_8 = arith.constant 1 : i32
    scf.for %scan3A_15 = %scan3A_5 to %scan3A_7 step %scan3A_8  : i32 {
      %dma_start3A = arith.constant 0 : i32
      %dma_start3A_16 = tpu.memref_slice %arg8[%scan3A_15, %dma_start3A] : memref<100x100xi32, #tpu.memory_space<vmem>> -> memref<1x100xi32, #tpu.memory_space<vmem>>
      %dma_start3A_17 = tpu.memref_squeeze %dma_start3A_16 : memref<1x100xi32, #tpu.memory_space<vmem>> -> memref<100xi32, #tpu.memory_space<vmem>>
      %dma_start3A_18 = arith.constant 0 : i32
      %dma_start3A_19 = arith.constant 0 : i32
      %dma_start3A_20 = tpu.memref_slice %arg2[%dma_start3A_18, %dma_start3A_19] : memref<10000x128xf32, #tpu.memory_space<hbm>> -> memref<10000x128xf32, #tpu.memory_space<hbm>>
      tpu.enqueue_indirect_dma source(%dma_start3A_20 : memref<10000x128xf32, #tpu.memory_space<hbm>>) target(%arg10 : memref<100x128xf32, #tpu.memory_space<vmem>>) offsets(%dma_start3A_17 : memref<100xi32, #tpu.memory_space<vmem>>) semaphore(%arg11 : memref<!tpu.dma_semaphore, #tpu.memory_space<semaphore_mem>>)
      %dma_wait3A = arith.constant 0 : i32
      %dma_wait3A_21 = tpu.memref_slice %arg8[%scan3A_15, %dma_wait3A] : memref<100x100xi32, #tpu.memory_space<vmem>> -> memref<1x100xi32, #tpu.memory_space<vmem>>
      %dma_wait3A_22 = tpu.memref_squeeze %dma_wait3A_21 : memref<1x100xi32, #tpu.memory_space<vmem>> -> memref<100xi32, #tpu.memory_space<vmem>>
      %dma_wait3A_23 = arith.constant 0 : i32
      %dma_wait3A_24 = arith.constant 0 : i32
      %dma_wait3A_25 = tpu.memref_slice %arg2[%dma_wait3A_23, %dma_wait3A_24] : memref<10000x128xf32, #tpu.memory_space<hbm>> -> memref<10000x128xf32, #tpu.memory_space<hbm>>
      tpu.wait_indirect_dma semaphore(%arg11 : memref<!tpu.dma_semaphore, #tpu.memory_space<semaphore_mem>>) src(%dma_wait3A_25 : memref<10000x128xf32, #tpu.memory_space<hbm>>) dst(%arg10 : memref<100x128xf32, #tpu.memory_space<vmem>>)
      "tpu.region"() ({
        %run_scoped3A = tpu.sem_alloc : memref<!tpu.dma_semaphore, #tpu.memory_space<semaphore_mem>>
        %dma_start3A_26 = arith.constant 0 : i32
        %dma_start3A_27 = tpu.memref_slice %arg9[%scan3A_15, %dma_start3A_26] : memref<100x100xi32, #tpu.memory_space<vmem>> -> memref<1x100xi32, #tpu.memory_space<vmem>>
        %dma_start3A_28 = tpu.memref_squeeze %dma_start3A_27 : memref<1x100xi32, #tpu.memory_space<vmem>> -> memref<100xi32, #tpu.memory_space<vmem>>
        %dma_start3A_29 = arith.constant 0 : i32
        %dma_start3A_30 = arith.constant 0 : i32
        %dma_start3A_31 = tpu.memref_slice %arg7[%dma_start3A_29, %dma_start3A_30] : memref<10240x128xf32, #tpu.memory_space<vmem_shared>> -> memref<10240x128xf32, #tpu.memory_space<vmem_shared>>
        tpu.enqueue_indirect_dma source(%arg10 : memref<100x128xf32, #tpu.memory_space<vmem>>) target(%dma_start3A_31 : memref<10240x128xf32, #tpu.memory_space<vmem_shared>>) offsets(%dma_start3A_28 : memref<100xi32, #tpu.memory_space<vmem>>) semaphore(%run_scoped3A : memref<!tpu.dma_semaphore, #tpu.memory_space<semaphore_mem>>) {add = true}
        %dma_wait3A_32 = arith.constant 0 : i32
        %dma_wait3A_33 = tpu.memref_slice %arg9[%scan3A_15, %dma_wait3A_32] : memref<100x100xi32, #tpu.memory_space<vmem>> -> memref<1x100xi32, #tpu.memory_space<vmem>>
        %dma_wait3A_34 = tpu.memref_squeeze %dma_wait3A_33 : memref<1x100xi32, #tpu.memory_space<vmem>> -> memref<100xi32, #tpu.memory_space<vmem>>
        %dma_wait3A_35 = arith.constant 0 : i32
        %dma_wait3A_36 = arith.constant 0 : i32
        %dma_wait3A_37 = tpu.memref_slice %arg7[%dma_wait3A_35, %dma_wait3A_36] : memref<10240x128xf32, #tpu.memory_space<vmem_shared>> -> memref<10240x128xf32, #tpu.memory_space<vmem_shared>>
        tpu.wait_indirect_dma semaphore(%run_scoped3A : memref<!tpu.dma_semaphore, #tpu.memory_space<semaphore_mem>>) src(%arg10 : memref<100x128xf32, #tpu.memory_space<vmem>>) dst(%dma_wait3A_37 : memref<10240x128xf32, #tpu.memory_space<vmem_shared>>)
        tpu.yield
      }) : () -> ()
    }
    %scan3A_9 = arith.constant 100 : i32
    %barrier3A_10 = arith.constant 0 : index
    tpu.barrier barrier_id(%barrier3A_10)
    %mul3A_11 = arith.constant 640 : i32
    %mul3A_12 = arith.muli %arg1, %mul3A_11 : i32
    %mul3A_13 = arith.constant 640 : i32
    %mul3A_14 = arith.muli %arg1, %mul3A_13 : i32
    "tpu.region"() ({
      %run_scoped3A = tpu.sem_alloc : memref<!tpu.dma_semaphore, #tpu.memory_space<semaphore_mem>>
      %dma_start3A = arith.constant 0 : i32
      %dma_start3A_15 = tpu.memref_slice %arg6[%arg0, %mul3A_14, %dma_start3A] : memref<2x10240x128xf32, #tpu.memory_space<hbm>> -> memref<1x640x128xf32, #tpu.memory_space<hbm>>
      %dma_start3A_16 = tpu.memref_squeeze %dma_start3A_15 : memref<1x640x128xf32, #tpu.memory_space<hbm>> -> memref<640x128xf32, #tpu.memory_space<hbm>>
      %dma_start3A_17 = arith.constant 0 : i32
      %dma_start3A_18 = tpu.memref_slice %arg7[%mul3A_12, %dma_start3A_17] : memref<10240x128xf32, #tpu.memory_space<vmem_shared>> -> memref<640x128xf32, #tpu.memory_space<vmem_shared>>
      tpu.enqueue_dma source(%dma_start3A_18 : memref<640x128xf32, #tpu.memory_space<vmem_shared>>) target(%dma_start3A_16 : memref<640x128xf32, #tpu.memory_space<hbm>>) target_semaphore(%run_scoped3A : memref<!tpu.dma_semaphore, #tpu.memory_space<semaphore_mem>>)
      %dma_wait3A = arith.constant 0 : i32
      %dma_wait3A_19 = tpu.memref_slice %arg6[%arg0, %mul3A_14, %dma_wait3A] : memref<2x10240x128xf32, #tpu.memory_space<hbm>> -> memref<1x640x128xf32, #tpu.memory_space<hbm>>
      %dma_wait3A_20 = tpu.memref_squeeze %dma_wait3A_19 : memref<1x640x128xf32, #tpu.memory_space<hbm>> -> memref<640x128xf32, #tpu.memory_space<hbm>>
      %dma_wait3A_21 = arith.constant 0 : i32
      %dma_wait3A_22 = tpu.memref_slice %arg7[%mul3A_12, %dma_wait3A_21] : memref<10240x128xf32, #tpu.memory_space<vmem_shared>> -> memref<640x128xf32, #tpu.memory_space<vmem_shared>>
      tpu.wait_dma2 semaphore(%run_scoped3A : memref<!tpu.dma_semaphore, #tpu.memory_space<semaphore_mem>>) src(%dma_wait3A_22 : memref<640x128xf32, #tpu.memory_space<vmem_shared>>) dst(%dma_wait3A_20 : memref<640x128xf32, #tpu.memory_space<hbm>>)
      tpu.yield
    }) : () -> ()
    return
  }
}

#map = affine_map<(d0, d1) -> (0, 0)>
#map1 = affine_map<(d0, d1) -> (0, 0, 0)>
module attributes {stable_mosaic.version = 14 : i64} {
  func.func @_sc_agg_body(%arg0: i32, %arg1: i32, %arg2: memref<10000x128xf32, #tpu.memory_space<hbm>>, %arg3: memref<32x100x100xi32, #tpu.memory_space<hbm>>, %arg4: memref<32x100x100xi32, #tpu.memory_space<hbm>>, %arg5: memref<10240x128xf32, #tpu.memory_space<hbm>>, %arg6: memref<2x10240x128xf32, #tpu.memory_space<hbm>>, %arg7: memref<10240x128xf32, #tpu.memory_space<vmem_shared>>, %arg8: memref<100x100xi32, #tpu.memory_space<vmem>>, %arg9: memref<100x100xi32, #tpu.memory_space<vmem>>, %arg10: memref<100x128xf32, #tpu.memory_space<vmem>>, %arg11: memref<!tpu.dma_semaphore, #tpu.memory_space<semaphore_mem>>) attributes {dimension_semantics = [#tpu.dimension_semantics<core_parallel>, #tpu.dimension_semantics<subcore_parallel>], iteration_bounds = array<i64: 2, 16>, scalar_prefetch = 0 : i64, scratch_operands = 5 : i64, tpu.core_type = #tpu.core_type<sc_vector_subcore>, window_params = [{transform_indices = #map}, {transform_indices = #map1}, {transform_indices = #map1}, {transform_indices = #map}, {transform_indices = #map1}]} {
    %mul3A = arith.constant 2 : i32
    %mul3A_0 = arith.muli %arg1, %mul3A : i32
    %add3A = arith.addi %mul3A_0, %arg0 : i32
    %mul3A_1 = arith.constant 640 : i32
    %mul3A_2 = arith.muli %arg1, %mul3A_1 : i32
    %mul3A_3 = arith.constant 640 : i32
    %mul3A_4 = arith.muli %arg1, %mul3A_3 : i32
    "tpu.region"() ({
      %run_scoped3A = tpu.sem_alloc : memref<!tpu.dma_semaphore, #tpu.memory_space<semaphore_mem>>
      %dma_start3A = arith.constant 0 : i32
      %dma_start3A_15 = tpu.memref_slice %arg7[%mul3A_4, %dma_start3A] : memref<10240x128xf32, #tpu.memory_space<vmem_shared>> -> memref<640x128xf32, #tpu.memory_space<vmem_shared>>
      %dma_start3A_16 = arith.constant 0 : i32
      %dma_start3A_17 = tpu.memref_slice %arg5[%mul3A_2, %dma_start3A_16] : memref<10240x128xf32, #tpu.memory_space<hbm>> -> memref<640x128xf32, #tpu.memory_space<hbm>>
      tpu.enqueue_dma source(%dma_start3A_17 : memref<640x128xf32, #tpu.memory_space<hbm>>) target(%dma_start3A_15 : memref<640x128xf32, #tpu.memory_space<vmem_shared>>) target_semaphore(%run_scoped3A : memref<!tpu.dma_semaphore, #tpu.memory_space<semaphore_mem>>)
      %dma_wait3A = arith.constant 0 : i32
      %dma_wait3A_18 = tpu.memref_slice %arg7[%mul3A_4, %dma_wait3A] : memref<10240x128xf32, #tpu.memory_space<vmem_shared>> -> memref<640x128xf32, #tpu.memory_space<vmem_shared>>
      %dma_wait3A_19 = arith.constant 0 : i32
      %dma_wait3A_20 = tpu.memref_slice %arg5[%mul3A_2, %dma_wait3A_19] : memref<10240x128xf32, #tpu.memory_space<hbm>> -> memref<640x128xf32, #tpu.memory_space<hbm>>
      tpu.wait_dma2 semaphore(%run_scoped3A : memref<!tpu.dma_semaphore, #tpu.memory_space<semaphore_mem>>) src(%dma_wait3A_20 : memref<640x128xf32, #tpu.memory_space<hbm>>) dst(%dma_wait3A_18 : memref<640x128xf32, #tpu.memory_space<vmem_shared>>)
      tpu.yield
    }) : () -> ()
    "tpu.region"() ({
      %run_scoped3A = tpu.sem_alloc : memref<!tpu.dma_semaphore, #tpu.memory_space<semaphore_mem>>
      %dma_start3A = arith.constant 0 : i32
      %dma_start3A_15 = arith.constant 0 : i32
      %dma_start3A_16 = tpu.memref_slice %arg3[%add3A, %dma_start3A, %dma_start3A_15] : memref<32x100x100xi32, #tpu.memory_space<hbm>> -> memref<1x100x100xi32, #tpu.memory_space<hbm>>
      %dma_start3A_17 = tpu.memref_squeeze %dma_start3A_16 : memref<1x100x100xi32, #tpu.memory_space<hbm>> -> memref<100x100xi32, #tpu.memory_space<hbm>>
      %dma_start3A_18 = arith.constant 0 : i32
      %dma_start3A_19 = arith.constant 0 : i32
      %dma_start3A_20 = tpu.memref_slice %arg3[%add3A, %dma_start3A_18, %dma_start3A_19] : memref<32x100x100xi32, #tpu.memory_space<hbm>> -> memref<1x100x100xi32, #tpu.memory_space<hbm>>
      %dma_start3A_21 = tpu.memref_squeeze %dma_start3A_20 : memref<1x100x100xi32, #tpu.memory_space<hbm>> -> memref<100x100xi32, #tpu.memory_space<hbm>>
      tpu.enqueue_dma source(%dma_start3A_21 : memref<100x100xi32, #tpu.memory_space<hbm>>) target(%arg8 : memref<100x100xi32, #tpu.memory_space<vmem>>) target_semaphore(%run_scoped3A : memref<!tpu.dma_semaphore, #tpu.memory_space<semaphore_mem>>)
      %dma_wait3A = arith.constant 0 : i32
      %dma_wait3A_22 = arith.constant 0 : i32
      %dma_wait3A_23 = tpu.memref_slice %arg3[%add3A, %dma_wait3A, %dma_wait3A_22] : memref<32x100x100xi32, #tpu.memory_space<hbm>> -> memref<1x100x100xi32, #tpu.memory_space<hbm>>
      %dma_wait3A_24 = tpu.memref_squeeze %dma_wait3A_23 : memref<1x100x100xi32, #tpu.memory_space<hbm>> -> memref<100x100xi32, #tpu.memory_space<hbm>>
      %dma_wait3A_25 = arith.constant 0 : i32
      %dma_wait3A_26 = arith.constant 0 : i32
      %dma_wait3A_27 = tpu.memref_slice %arg3[%add3A, %dma_wait3A_25, %dma_wait3A_26] : memref<32x100x100xi32, #tpu.memory_space<hbm>> -> memref<1x100x100xi32, #tpu.memory_space<hbm>>
      %dma_wait3A_28 = tpu.memref_squeeze %dma_wait3A_27 : memref<1x100x100xi32, #tpu.memory_space<hbm>> -> memref<100x100xi32, #tpu.memory_space<hbm>>
      tpu.wait_dma2 semaphore(%run_scoped3A : memref<!tpu.dma_semaphore, #tpu.memory_space<semaphore_mem>>) src(%dma_wait3A_28 : memref<100x100xi32, #tpu.memory_space<hbm>>) dst(%arg8 : memref<100x100xi32, #tpu.memory_space<vmem>>)
      tpu.yield
    }) : () -> ()
    "tpu.region"() ({
      %run_scoped3A = tpu.sem_alloc : memref<!tpu.dma_semaphore, #tpu.memory_space<semaphore_mem>>
      %dma_start3A = arith.constant 0 : i32
      %dma_start3A_15 = arith.constant 0 : i32
      %dma_start3A_16 = tpu.memref_slice %arg4[%add3A, %dma_start3A, %dma_start3A_15] : memref<32x100x100xi32, #tpu.memory_space<hbm>> -> memref<1x100x100xi32, #tpu.memory_space<hbm>>
      %dma_start3A_17 = tpu.memref_squeeze %dma_start3A_16 : memref<1x100x100xi32, #tpu.memory_space<hbm>> -> memref<100x100xi32, #tpu.memory_space<hbm>>
      %dma_start3A_18 = arith.constant 0 : i32
      %dma_start3A_19 = arith.constant 0 : i32
      %dma_start3A_20 = tpu.memref_slice %arg4[%add3A, %dma_start3A_18, %dma_start3A_19] : memref<32x100x100xi32, #tpu.memory_space<hbm>> -> memref<1x100x100xi32, #tpu.memory_space<hbm>>
      %dma_start3A_21 = tpu.memref_squeeze %dma_start3A_20 : memref<1x100x100xi32, #tpu.memory_space<hbm>> -> memref<100x100xi32, #tpu.memory_space<hbm>>
      tpu.enqueue_dma source(%dma_start3A_21 : memref<100x100xi32, #tpu.memory_space<hbm>>) target(%arg9 : memref<100x100xi32, #tpu.memory_space<vmem>>) target_semaphore(%run_scoped3A : memref<!tpu.dma_semaphore, #tpu.memory_space<semaphore_mem>>)
      %dma_wait3A = arith.constant 0 : i32
      %dma_wait3A_22 = arith.constant 0 : i32
      %dma_wait3A_23 = tpu.memref_slice %arg4[%add3A, %dma_wait3A, %dma_wait3A_22] : memref<32x100x100xi32, #tpu.memory_space<hbm>> -> memref<1x100x100xi32, #tpu.memory_space<hbm>>
      %dma_wait3A_24 = tpu.memref_squeeze %dma_wait3A_23 : memref<1x100x100xi32, #tpu.memory_space<hbm>> -> memref<100x100xi32, #tpu.memory_space<hbm>>
      %dma_wait3A_25 = arith.constant 0 : i32
      %dma_wait3A_26 = arith.constant 0 : i32
      %dma_wait3A_27 = tpu.memref_slice %arg4[%add3A, %dma_wait3A_25, %dma_wait3A_26] : memref<32x100x100xi32, #tpu.memory_space<hbm>> -> memref<1x100x100xi32, #tpu.memory_space<hbm>>
      %dma_wait3A_28 = tpu.memref_squeeze %dma_wait3A_27 : memref<1x100x100xi32, #tpu.memory_space<hbm>> -> memref<100x100xi32, #tpu.memory_space<hbm>>
      tpu.wait_dma2 semaphore(%run_scoped3A : memref<!tpu.dma_semaphore, #tpu.memory_space<semaphore_mem>>) src(%dma_wait3A_28 : memref<100x100xi32, #tpu.memory_space<hbm>>) dst(%arg9 : memref<100x100xi32, #tpu.memory_space<vmem>>)
      tpu.yield
    }) : () -> ()
    %barrier3A = arith.constant 0 : index
    tpu.barrier barrier_id(%barrier3A)
    %scan3A = arith.constant 0 : i32
    %scan3A_5 = arith.constant 0 : i32
    %scan3A_6 = arith.constant 100 : i32
    %scan3A_7 = arith.addi %scan3A_5, %scan3A_6 : i32
    %scan3A_8 = arith.constant 1 : i32
    scf.for %scan3A_15 = %scan3A_5 to %scan3A_7 step %scan3A_8  : i32 {
      %dma_start3A = arith.constant 0 : i32
      %dma_start3A_16 = tpu.memref_slice %arg8[%scan3A_15, %dma_start3A] : memref<100x100xi32, #tpu.memory_space<vmem>> -> memref<1x100xi32, #tpu.memory_space<vmem>>
      %dma_start3A_17 = tpu.memref_squeeze %dma_start3A_16 : memref<1x100xi32, #tpu.memory_space<vmem>> -> memref<100xi32, #tpu.memory_space<vmem>>
      %dma_start3A_18 = arith.constant 0 : i32
      %dma_start3A_19 = arith.constant 0 : i32
      %dma_start3A_20 = tpu.memref_slice %arg2[%dma_start3A_18, %dma_start3A_19] : memref<10000x128xf32, #tpu.memory_space<hbm>> -> memref<10000x128xf32, #tpu.memory_space<hbm>>
      tpu.enqueue_indirect_dma source(%dma_start3A_20 : memref<10000x128xf32, #tpu.memory_space<hbm>>) target(%arg10 : memref<100x128xf32, #tpu.memory_space<vmem>>) offsets(%dma_start3A_17 : memref<100xi32, #tpu.memory_space<vmem>>) semaphore(%arg11 : memref<!tpu.dma_semaphore, #tpu.memory_space<semaphore_mem>>)
      %dma_wait3A = arith.constant 0 : i32
      %dma_wait3A_21 = tpu.memref_slice %arg8[%scan3A_15, %dma_wait3A] : memref<100x100xi32, #tpu.memory_space<vmem>> -> memref<1x100xi32, #tpu.memory_space<vmem>>
      %dma_wait3A_22 = tpu.memref_squeeze %dma_wait3A_21 : memref<1x100xi32, #tpu.memory_space<vmem>> -> memref<100xi32, #tpu.memory_space<vmem>>
      %dma_wait3A_23 = arith.constant 0 : i32
      %dma_wait3A_24 = arith.constant 0 : i32
      %dma_wait3A_25 = tpu.memref_slice %arg2[%dma_wait3A_23, %dma_wait3A_24] : memref<10000x128xf32, #tpu.memory_space<hbm>> -> memref<10000x128xf32, #tpu.memory_space<hbm>>
      tpu.wait_indirect_dma semaphore(%arg11 : memref<!tpu.dma_semaphore, #tpu.memory_space<semaphore_mem>>) src(%dma_wait3A_25 : memref<10000x128xf32, #tpu.memory_space<hbm>>) dst(%arg10 : memref<100x128xf32, #tpu.memory_space<vmem>>)
      "tpu.region"() ({
        %run_scoped3A = tpu.sem_alloc : memref<!tpu.dma_semaphore, #tpu.memory_space<semaphore_mem>>
        %dma_start3A_26 = arith.constant 0 : i32
        %dma_start3A_27 = tpu.memref_slice %arg9[%scan3A_15, %dma_start3A_26] : memref<100x100xi32, #tpu.memory_space<vmem>> -> memref<1x100xi32, #tpu.memory_space<vmem>>
        %dma_start3A_28 = tpu.memref_squeeze %dma_start3A_27 : memref<1x100xi32, #tpu.memory_space<vmem>> -> memref<100xi32, #tpu.memory_space<vmem>>
        %dma_start3A_29 = arith.constant 0 : i32
        %dma_start3A_30 = arith.constant 0 : i32
        %dma_start3A_31 = tpu.memref_slice %arg7[%dma_start3A_29, %dma_start3A_30] : memref<10240x128xf32, #tpu.memory_space<vmem_shared>> -> memref<10240x128xf32, #tpu.memory_space<vmem_shared>>
        tpu.enqueue_indirect_dma source(%arg10 : memref<100x128xf32, #tpu.memory_space<vmem>>) target(%dma_start3A_31 : memref<10240x128xf32, #tpu.memory_space<vmem_shared>>) offsets(%dma_start3A_28 : memref<100xi32, #tpu.memory_space<vmem>>) semaphore(%run_scoped3A : memref<!tpu.dma_semaphore, #tpu.memory_space<semaphore_mem>>) {add = true}
        %dma_wait3A_32 = arith.constant 0 : i32
        %dma_wait3A_33 = tpu.memref_slice %arg9[%scan3A_15, %dma_wait3A_32] : memref<100x100xi32, #tpu.memory_space<vmem>> -> memref<1x100xi32, #tpu.memory_space<vmem>>
        %dma_wait3A_34 = tpu.memref_squeeze %dma_wait3A_33 : memref<1x100xi32, #tpu.memory_space<vmem>> -> memref<100xi32, #tpu.memory_space<vmem>>
        %dma_wait3A_35 = arith.constant 0 : i32
        %dma_wait3A_36 = arith.constant 0 : i32
        %dma_wait3A_37 = tpu.memref_slice %arg7[%dma_wait3A_35, %dma_wait3A_36] : memref<10240x128xf32, #tpu.memory_space<vmem_shared>> -> memref<10240x128xf32, #tpu.memory_space<vmem_shared>>
        tpu.wait_indirect_dma semaphore(%run_scoped3A : memref<!tpu.dma_semaphore, #tpu.memory_space<semaphore_mem>>) src(%arg10 : memref<100x128xf32, #tpu.memory_space<vmem>>) dst(%dma_wait3A_37 : memref<10240x128xf32, #tpu.memory_space<vmem_shared>>)
        tpu.yield
      }) : () -> ()
    }
    %scan3A_9 = arith.constant 100 : i32
    %barrier3A_10 = arith.constant 0 : index
    tpu.barrier barrier_id(%barrier3A_10)
    %mul3A_11 = arith.constant 640 : i32
    %mul3A_12 = arith.muli %arg1, %mul3A_11 : i32
    %mul3A_13 = arith.constant 640 : i32
    %mul3A_14 = arith.muli %arg1, %mul3A_13 : i32
    "tpu.region"() ({
      %run_scoped3A = tpu.sem_alloc : memref<!tpu.dma_semaphore, #tpu.memory_space<semaphore_mem>>
      %dma_start3A = arith.constant 0 : i32
      %dma_start3A_15 = tpu.memref_slice %arg6[%arg0, %mul3A_14, %dma_start3A] : memref<2x10240x128xf32, #tpu.memory_space<hbm>> -> memref<1x640x128xf32, #tpu.memory_space<hbm>>
      %dma_start3A_16 = tpu.memref_squeeze %dma_start3A_15 : memref<1x640x128xf32, #tpu.memory_space<hbm>> -> memref<640x128xf32, #tpu.memory_space<hbm>>
      %dma_start3A_17 = arith.constant 0 : i32
      %dma_start3A_18 = tpu.memref_slice %arg7[%mul3A_12, %dma_start3A_17] : memref<10240x128xf32, #tpu.memory_space<vmem_shared>> -> memref<640x128xf32, #tpu.memory_space<vmem_shared>>
      tpu.enqueue_dma source(%dma_start3A_18 : memref<640x128xf32, #tpu.memory_space<vmem_shared>>) target(%dma_start3A_16 : memref<640x128xf32, #tpu.memory_space<hbm>>) target_semaphore(%run_scoped3A : memref<!tpu.dma_semaphore, #tpu.memory_space<semaphore_mem>>)
      %dma_wait3A = arith.constant 0 : i32
      %dma_wait3A_19 = tpu.memref_slice %arg6[%arg0, %mul3A_14, %dma_wait3A] : memref<2x10240x128xf32, #tpu.memory_space<hbm>> -> memref<1x640x128xf32, #tpu.memory_space<hbm>>
      %dma_wait3A_20 = tpu.memref_squeeze %dma_wait3A_19 : memref<1x640x128xf32, #tpu.memory_space<hbm>> -> memref<640x128xf32, #tpu.memory_space<hbm>>
      %dma_wait3A_21 = arith.constant 0 : i32
      %dma_wait3A_22 = tpu.memref_slice %arg7[%mul3A_12, %dma_wait3A_21] : memref<10240x128xf32, #tpu.memory_space<vmem_shared>> -> memref<640x128xf32, #tpu.memory_space<vmem_shared>>
      tpu.wait_dma2 semaphore(%run_scoped3A : memref<!tpu.dma_semaphore, #tpu.memory_space<semaphore_mem>>) src(%dma_wait3A_22 : memref<640x128xf32, #tpu.memory_space<vmem_shared>>) dst(%dma_wait3A_20 : memref<640x128xf32, #tpu.memory_space<hbm>>)
      tpu.yield
    }) : () -> ()
    return
  }
}

module attributes {stable_mosaic.version = 14 : i64} {
  func.func @_mlp_block(%arg0: i32, %arg1: memref<1000x128xf32, #tpu.memory_space<vmem>>, %arg2: memref<1000x128xf32, #tpu.memory_space<vmem>>, %arg3: memref<128x128xf32, #tpu.memory_space<vmem>>, %arg4: memref<1x128xf32, #tpu.memory_space<vmem>>, %arg5: memref<128x128xf32, #tpu.memory_space<vmem>>, %arg6: memref<1x128xf32, #tpu.memory_space<vmem>>, %arg7: memref<1000x128xf32, #tpu.memory_space<vmem>>) attributes {dimension_semantics = [#tpu.dimension_semantics<arbitrary>], iteration_bounds = array<i64: 10>, scalar_prefetch = 0 : i64, scratch_operands = 0 : i64, tpu.core_type = #tpu.core_type<tc>, window_params = [{transform_indices = @transform_0, window_bounds = array<i64: 1000, 128>}, {transform_indices = @transform_1, window_bounds = array<i64: 1000, 128>}, {pipeline_mode = #tpu.pipeline_mode<synchronous>, transform_indices = @transform_2, window_bounds = array<i64: 128, 128>}, {pipeline_mode = #tpu.pipeline_mode<synchronous>, transform_indices = @transform_3, window_bounds = array<i64: 1, 128>}, {pipeline_mode = #tpu.pipeline_mode<synchronous>, transform_indices = @transform_4, window_bounds = array<i64: 128, 128>}, {pipeline_mode = #tpu.pipeline_mode<synchronous>, transform_indices = @transform_5, window_bounds = array<i64: 1, 128>}, {transform_indices = @transform_6, window_bounds = array<i64: 1000, 128>}]} {
    %get3A = arith.constant 0 : index
    %get3A_0 = arith.constant 0 : index
    %get3A_1 = vector.load %arg1[%get3A, %get3A_0] : memref<1000x128xf32, #tpu.memory_space<vmem>>, vector<1000x128xf32>
    %get3A_2 = arith.constant 0 : index
    %get3A_3 = arith.constant 0 : index
    %get3A_4 = vector.load %arg2[%get3A_2, %get3A_3] : memref<1000x128xf32, #tpu.memory_space<vmem>>, vector<1000x128xf32>
    %add3A = arith.addf %get3A_1, %get3A_4 : vector<1000x128xf32>
    %get3A_5 = arith.constant 0 : index
    %get3A_6 = arith.constant 0 : index
    %get3A_7 = vector.load %arg3[%get3A_5, %get3A_6] : memref<128x128xf32, #tpu.memory_space<vmem>>, vector<128x128xf32>
    %dot_general3A = arith.constant dense<0.000000e+00> : vector<1000x128xf32>
    %dot_general3A_8 = tpu.matmul %add3A, %get3A_7, %dot_general3A {dimension_numbers = #tpu.dot_dimension_numbers<[1], [0], [0], [1], [0, 0, 1, 1], [], []>, transpose_lhs_hint = false} : vector<1000x128xf32>, vector<128x128xf32>, vector<1000x128xf32> -> vector<1000x128xf32>
    %get3A_9 = arith.constant 0 : index
    %get3A_10 = arith.constant 0 : index
    %get3A_11 = vector.load %arg4[%get3A_9, %get3A_10] : memref<1x128xf32, #tpu.memory_space<vmem>>, vector<1x128xf32>
    %add3A_12 = vector.broadcast %get3A_11 : vector<1x128xf32> to vector<1000x128xf32>
    %add3A_13 = arith.addf %dot_general3A_8, %add3A_12 : vector<1000x128xf32>
    %max3A = arith.constant 0.000000e+00 : f32
    %max3A_14 = vector.broadcast %max3A : f32 to vector<1000x128xf32>
    %max3A_15 = arith.maximumf %add3A_13, %max3A_14 : vector<1000x128xf32>
    %get3A_16 = arith.constant 0 : index
    %get3A_17 = arith.constant 0 : index
    %get3A_18 = vector.load %arg5[%get3A_16, %get3A_17] : memref<128x128xf32, #tpu.memory_space<vmem>>, vector<128x128xf32>
    %dot_general3A_19 = arith.constant dense<0.000000e+00> : vector<1000x128xf32>
    %dot_general3A_20 = tpu.matmul %max3A_15, %get3A_18, %dot_general3A_19 {dimension_numbers = #tpu.dot_dimension_numbers<[1], [0], [0], [1], [0, 0, 1, 1], [], []>, transpose_lhs_hint = false} : vector<1000x128xf32>, vector<128x128xf32>, vector<1000x128xf32> -> vector<1000x128xf32>
    %get3A_21 = arith.constant 0 : index
    %get3A_22 = arith.constant 0 : index
    %get3A_23 = vector.load %arg6[%get3A_21, %get3A_22] : memref<1x128xf32, #tpu.memory_space<vmem>>, vector<1x128xf32>
    %add3A_24 = vector.broadcast %get3A_23 : vector<1x128xf32> to vector<1000x128xf32>
    %add3A_25 = arith.addf %dot_general3A_20, %add3A_24 : vector<1000x128xf32>
    %max3A_26 = arith.constant 0.000000e+00 : f32
    %max3A_27 = vector.broadcast %max3A_26 : f32 to vector<1000x128xf32>
    %max3A_28 = arith.maximumf %add3A_25, %max3A_27 : vector<1000x128xf32>
    %swap3A = arith.constant 0 : index
    %swap3A_29 = arith.constant 0 : index
    %swap3A_30 = vector.load %arg7[%swap3A, %swap3A_29] : memref<1000x128xf32, #tpu.memory_space<vmem>>, vector<1000x128xf32>
    tpu.vector_store %arg7[%swap3A, %swap3A_29], %max3A_28 {strides = array<i32>} : memref<1000x128xf32, #tpu.memory_space<vmem>>, vector<1000x128xf32>,
    return
  }
  func.func @transform_0(%arg0: i32) -> (i32, i32) {
    %c0_i32 = arith.constant 0 : i32
    %c0_i32_0 = arith.constant 0 : i32
    return %arg0, %c0_i32 : i32, i32
  }
  func.func @transform_1(%arg0: i32) -> (i32, i32) {
    %c0_i32 = arith.constant 0 : i32
    %c0_i32_0 = arith.constant 0 : i32
    return %arg0, %c0_i32 : i32, i32
  }
  func.func @transform_2(%arg0: i32) -> (i32, i32) {
    %c0_i32 = arith.constant 0 : i32
    %c0_i32_0 = arith.constant 0 : i32
    %c0_i32_1 = arith.constant 0 : i32
    return %c0_i32, %c0_i32_0 : i32, i32
  }
  func.func @transform_3(%arg0: i32) -> (i32, i32) {
    %c0_i32 = arith.constant 0 : i32
    %c0_i32_0 = arith.constant 0 : i32
    %c0_i32_1 = arith.constant 0 : i32
    return %c0_i32, %c0_i32_0 : i32, i32
  }
  func.func @transform_4(%arg0: i32) -> (i32, i32) {
    %c0_i32 = arith.constant 0 : i32
    %c0_i32_0 = arith.constant 0 : i32
    %c0_i32_1 = arith.constant 0 : i32
    return %c0_i32, %c0_i32_0 : i32, i32
  }
  func.func @transform_5(%arg0: i32) -> (i32, i32) {
    %c0_i32 = arith.constant 0 : i32
    %c0_i32_0 = arith.constant 0 : i32
    %c0_i32_1 = arith.constant 0 : i32
    return %c0_i32, %c0_i32_0 : i32, i32
  }
  func.func @transform_6(%arg0: i32) -> (i32, i32) {
    %c0_i32 = arith.constant 0 : i32
    %c0_i32_0 = arith.constant 0 : i32
    return %arg0, %c0_i32 : i32, i32
  }
}

module attributes {stable_mosaic.version = 14 : i64} {
  func.func @_mlp_block(%arg0: i32, %arg1: memref<1000x128xf32, #tpu.memory_space<vmem>>, %arg2: memref<1000x128xf32, #tpu.memory_space<vmem>>, %arg3: memref<128x128xf32, #tpu.memory_space<vmem>>, %arg4: memref<1x128xf32, #tpu.memory_space<vmem>>, %arg5: memref<128x128xf32, #tpu.memory_space<vmem>>, %arg6: memref<1x128xf32, #tpu.memory_space<vmem>>, %arg7: memref<1000x128xf32, #tpu.memory_space<vmem>>) attributes {dimension_semantics = [#tpu.dimension_semantics<arbitrary>], iteration_bounds = array<i64: 10>, scalar_prefetch = 0 : i64, scratch_operands = 0 : i64, tpu.core_type = #tpu.core_type<tc>, window_params = [{transform_indices = @transform_0, window_bounds = array<i64: 1000, 128>}, {transform_indices = @transform_1, window_bounds = array<i64: 1000, 128>}, {pipeline_mode = #tpu.pipeline_mode<synchronous>, transform_indices = @transform_2, window_bounds = array<i64: 128, 128>}, {pipeline_mode = #tpu.pipeline_mode<synchronous>, transform_indices = @transform_3, window_bounds = array<i64: 1, 128>}, {pipeline_mode = #tpu.pipeline_mode<synchronous>, transform_indices = @transform_4, window_bounds = array<i64: 128, 128>}, {pipeline_mode = #tpu.pipeline_mode<synchronous>, transform_indices = @transform_5, window_bounds = array<i64: 1, 128>}, {transform_indices = @transform_6, window_bounds = array<i64: 1000, 128>}]} {
    %get3A = arith.constant 0 : index
    %get3A_0 = arith.constant 0 : index
    %get3A_1 = vector.load %arg1[%get3A, %get3A_0] : memref<1000x128xf32, #tpu.memory_space<vmem>>, vector<1000x128xf32>
    %get3A_2 = arith.constant 0 : index
    %get3A_3 = arith.constant 0 : index
    %get3A_4 = vector.load %arg2[%get3A_2, %get3A_3] : memref<1000x128xf32, #tpu.memory_space<vmem>>, vector<1000x128xf32>
    %add3A = arith.addf %get3A_1, %get3A_4 : vector<1000x128xf32>
    %get3A_5 = arith.constant 0 : index
    %get3A_6 = arith.constant 0 : index
    %get3A_7 = vector.load %arg3[%get3A_5, %get3A_6] : memref<128x128xf32, #tpu.memory_space<vmem>>, vector<128x128xf32>
    %dot_general3A = arith.constant dense<0.000000e+00> : vector<1000x128xf32>
    %dot_general3A_8 = tpu.matmul %add3A, %get3A_7, %dot_general3A {dimension_numbers = #tpu.dot_dimension_numbers<[1], [0], [0], [1], [0, 0, 1, 1], [], []>, transpose_lhs_hint = false} : vector<1000x128xf32>, vector<128x128xf32>, vector<1000x128xf32> -> vector<1000x128xf32>
    %get3A_9 = arith.constant 0 : index
    %get3A_10 = arith.constant 0 : index
    %get3A_11 = vector.load %arg4[%get3A_9, %get3A_10] : memref<1x128xf32, #tpu.memory_space<vmem>>, vector<1x128xf32>
    %add3A_12 = vector.broadcast %get3A_11 : vector<1x128xf32> to vector<1000x128xf32>
    %add3A_13 = arith.addf %dot_general3A_8, %add3A_12 : vector<1000x128xf32>
    %max3A = arith.constant 0.000000e+00 : f32
    %max3A_14 = vector.broadcast %max3A : f32 to vector<1000x128xf32>
    %max3A_15 = arith.maximumf %add3A_13, %max3A_14 : vector<1000x128xf32>
    %get3A_16 = arith.constant 0 : index
    %get3A_17 = arith.constant 0 : index
    %get3A_18 = vector.load %arg5[%get3A_16, %get3A_17] : memref<128x128xf32, #tpu.memory_space<vmem>>, vector<128x128xf32>
    %dot_general3A_19 = arith.constant dense<0.000000e+00> : vector<1000x128xf32>
    %dot_general3A_20 = tpu.matmul %max3A_15, %get3A_18, %dot_general3A_19 {dimension_numbers = #tpu.dot_dimension_numbers<[1], [0], [0], [1], [0, 0, 1, 1], [], []>, transpose_lhs_hint = false} : vector<1000x128xf32>, vector<128x128xf32>, vector<1000x128xf32> -> vector<1000x128xf32>
    %get3A_21 = arith.constant 0 : index
    %get3A_22 = arith.constant 0 : index
    %get3A_23 = vector.load %arg6[%get3A_21, %get3A_22] : memref<1x128xf32, #tpu.memory_space<vmem>>, vector<1x128xf32>
    %add3A_24 = vector.broadcast %get3A_23 : vector<1x128xf32> to vector<1000x128xf32>
    %add3A_25 = arith.addf %dot_general3A_20, %add3A_24 : vector<1000x128xf32>
    %swap3A = arith.constant 0 : index
    %swap3A_26 = arith.constant 0 : index
    %swap3A_27 = vector.load %arg7[%swap3A, %swap3A_26] : memref<1000x128xf32, #tpu.memory_space<vmem>>, vector<1000x128xf32>
    tpu.vector_store %arg7[%swap3A, %swap3A_26], %add3A_25 {strides = array<i32>} : memref<1000x128xf32, #tpu.memory_space<vmem>>, vector<1000x128xf32>,
    return
  }
  func.func @transform_0(%arg0: i32) -> (i32, i32) {
    %c0_i32 = arith.constant 0 : i32
    %c0_i32_0 = arith.constant 0 : i32
    return %arg0, %c0_i32 : i32, i32
  }
  func.func @transform_1(%arg0: i32) -> (i32, i32) {
    %c0_i32 = arith.constant 0 : i32
    %c0_i32_0 = arith.constant 0 : i32
    return %arg0, %c0_i32 : i32, i32
  }
  func.func @transform_2(%arg0: i32) -> (i32, i32) {
    %c0_i32 = arith.constant 0 : i32
    %c0_i32_0 = arith.constant 0 : i32
    %c0_i32_1 = arith.constant 0 : i32
    return %c0_i32, %c0_i32_0 : i32, i32
  }
  func.func @transform_3(%arg0: i32) -> (i32, i32) {
    %c0_i32 = arith.constant 0 : i32
    %c0_i32_0 = arith.constant 0 : i32
    %c0_i32_1 = arith.constant 0 : i32
    return %c0_i32, %c0_i32_0 : i32, i32
  }
  func.func @transform_4(%arg0: i32) -> (i32, i32) {
    %c0_i32 = arith.constant 0 : i32
    %c0_i32_0 = arith.constant 0 : i32
    %c0_i32_1 = arith.constant 0 : i32
    return %c0_i32, %c0_i32_0 : i32, i32
  }
  func.func @transform_5(%arg0: i32) -> (i32, i32) {
    %c0_i32 = arith.constant 0 : i32
    %c0_i32_0 = arith.constant 0 : i32
    %c0_i32_1 = arith.constant 0 : i32
    return %c0_i32, %c0_i32_0 : i32, i32
  }
  func.func @transform_6(%arg0: i32) -> (i32, i32) {
    %c0_i32 = arith.constant 0 : i32
    %c0_i32_0 = arith.constant 0 : i32
    return %arg0, %c0_i32 : i32, i32
  }
}

</mosaic_0001>

<sc_bundles>
// kernel: kernel.11.cloned.1.call-start
scs
__scs_entry_jumppad:
0x0: {  	(pc) =	sbr.rel $0x88, $3  }
0x1: {  	(tag) =	ssettag $0x0;
	lr =	simm.s32 $0x1  }
0x2: {  	[smem:$0x3F93] =	sst lr;
	_ =	strace $0xD0000000  }
0x3: {  	_ = 	snop  }
0x4: {  	_ = 	snop  }
0x5: {  	_ = 	snop  }
0x6: {  	_ = 	snop  }
0x7: {  	_ = 	snop  }
__scs_overlays_trampoline_lowered:
0x8: {  	[smem:$0x3FA2] =	sst s0  }
0x9: {  	[smem:$0x3FA3] =	sst s1  }
0xa: {  	[smem:$0x3FA4] =	sst s2  }
0xb: {  	[smem:$0x3FA5] =	sst s3  }
0xc: {  	[smem:$0x3FA6] =	sst s4  }
0xd: {  	[smem:$0x3FA7] =	sst s5  }
0xe: {  	[smem:$0x3FA8] =	sst s6  }
0xf: {  	[smem:$0x3FA9] =	sst s7  }
0x10: {  	[smem:$0x3FAA] =	sst s8  }
0x11: {  	[smem:$0x3FAB] =	sst s9;
	s0 =	simm.s32 @!p0 $0x0  }
0x12: {  	s1 =	sld [smem:$0x3F91];
	s0 =	simm.s32 @p0 $0x1  }
0x13: {  	[smem:$0x3FAC] =	sst s0;
	s0 =	simm.s32 @!p1 $0x0  }
0x14: {  	s2 =	sld [smem:$0x3F90];
	s0 =	simm.s32 @p1 $0x1  }
0x15: {  	[smem:$0x3FAD] =	sst s0;
	s0 =	simm.s32 @!p2 $0x0  }
0x16: {  	s3 =	sld [smem:$0x3FDB];
	s0 =	simm.s32 @p2 $0x1  }
0x17: {  	s4 =	simm.s32 $0x1BF5;
	[smem:$0x3FAF] =	sst s0  }
0x18: {  	s0 =	sld [smem:$0x3F92];
	_ =	swait.ge [sflag:s4], $0x0  }
0x19: {  	s7 =	sld [smem:$0x3F93]  }
0x1a: {  	s8 =	sadd.s32 $0xFFFFE003, lr  }
0x1b: {  	s9 =	sadd.s32 $0xFFFFFEF7, lr;
	s5 =	simm.s32 $0xFFFFFFFF;
	p2 =	slt.u32 s8, $0xFFFFF086  }
0x1c: {  	p1 =	slt.u32 s9, $0xF7A;
	s5 =	simm.s32 @!p2 $0x0  }
0x1d: {  	s5 =	simm.s32 @p1 $0x1;
	p0 =	seq.s32 s7, s2  }
0x1e: {  	s7 =	smul.u32 @!p0 $0xF7A, s2;
	p2 =	seq.s32 @!p0 s5, $0x0  }
0x1f: {  	s9 =	smul.u32 $0xF7A, s1;
	s8 =	simm.s32 @!p0 $0x1BF5;
	p2 =	por !p2, p0  }
0x20: {  	[sflag:s8] =	ssyncset.s32 @!p0 $0xFFFFF086;
	s6 =	sadd.s32 @!p0 s3, s7;
	s7 =	simm.s32 @!p0 $0x108  }
0x21: {  	s3 =	sadd.s32 s3, s9;
	s6 =	sadd.s32 @!p0 $0x88, s6;
	s7 =	simm.s32 @p2 $0x1082  }
0x22: {  	[simem:s7], [sflag:s8] =	dma.local @!p0 [hbm:s6], $0xF7A  }
0x23: {  	s9 =	sor.u32 $0xD0000000, s2;
	s6 =	simm.s32 $0x108;
	_ =	swait.ge @!p0 [sflag:s8], $0x0  }
0x24: {  	s3 =	sadd.s32 $0x88, s3;
	s6 =	simm.s32 @!p1 $0x1082;
	[sflag:s4] =	ssyncset.s32 $0xFFFFF086  }
0x25: {  	[simem:s6], [sflag:s4] =	dma.local [hbm:s3], $0xF7A  }
0x26: {  	[smem:$0x3F93] =	sst s1;
	(tag) =	ssettag s2;
	_ =	strace s9  }
0x27: {  	s1 =	sld [smem:$0x3FA3]  }
0x28: {  	s2 =	sld [smem:$0x3FA4]  }
0x29: {  	s4 =	sld [smem:$0x3FA6]  }
0x2a: {  	p0 =	seq.s32 s5, $0x0;
	s5 =	sld [smem:$0x3FA7]  }
0x2b: {  	s6 =	sld [smem:$0x3FA8]  }
0x2c: {  	s7 =	sld [smem:$0x3FA9]  }
0x2d: {  	s3 =	simm.s32 $0x108;
	s8 =	sld [smem:$0x3FAA]  }
0x2e: {  	s3 =	simm.s32 @!p0 $0x1082;
	s9 =	sld [smem:$0x3FAB]  }
0x2f: {  	lr =	sadd.s32 s0, s3;
	s0 =	sld [smem:$0x3FA2]  }
0x30: {  	s3 =	sld [smem:$0x3FA5]  }
0x31: {  	[smem:$0x3FAE] =	sst s10  }
0x32: {  	s10 =	sld [smem:$0x3FAC];
	_ =	sdelay $0x3  }
0x33: {  	p0 =	seq.s32 s10, $0x1;
	s10 =	sld [smem:$0x3FAE];
	_ =	sdelay $0x3  }
0x34: {  	[smem:$0x3FAE] =	sst s10  }
0x35: {  	s10 =	sld [smem:$0x3FAD];
	_ =	sdelay $0x3  }
0x36: {  	p1 =	seq.s32 s10, $0x1;
	s10 =	sld [smem:$0x3FAE];
	_ =	sdelay $0x3  }
0x37: {  	[smem:$0x3FAE] =	sst s10  }
0x38: {  	s10 =	sld [smem:$0x3FAF]  }
0x39: {  	_ = 	snop;
	(pc) =	sbr.ind lr, $3  }
0x3a: {  	_ = 	snop  }
0x3b: {  	_ = 	snop  }
0x3c: {  	p2 =	seq.s32 s10, $0x1;
	s10 =	sld [smem:$0x3FAE]  }
0x3d: {  	_ =	shalt  }
0x3e: {  	_ =	shalt  }
0x3f: {  	_ =	shalt  }
0x40: {  	_ =	shalt  }
0x41: {  	_ =	shalt  }
0x42: {  	_ =	shalt  }
0x43: {  	_ =	shalt  }
0x44: {  	_ =	shalt  }
0x45: {  	_ =	shalt  }
0x46: {  	_ =	shalt  }
0x47: {  	_ =	shalt  }
0x48: {  	_ =	shalt  }
0x49: {  	_ =	shalt  }
0x4a: {  	_ =	shalt  }
0x4b: {  	_ =	shalt  }
0x4c: {  	_ =	shalt  }
0x4d: {  	_ =	shalt  }
0x4e: {  	_ =	shalt  }
0x4f: {  	_ =	shalt  }
0x50: {  	_ =	shalt  }
0x51: {  	_ =	shalt  }
0x52: {  	_ =	shalt  }
0x53: {  	_ =	shalt  }
0x54: {  	_ =	shalt  }
0x55: {  	_ =	shalt  }
0x56: {  	_ =	shalt  }
0x57: {  	_ =	shalt  }
0x58: {  	_ =	shalt  }
0x59: {  	_ =	shalt  }
0x5a: {  	_ =	shalt  }
0x5b: {  	_ =	shalt  }
0x5c: {  	_ =	shalt  }
0x5d: {  	_ =	shalt  }
0x5e: {  	_ =	shalt  }
0x5f: {  	_ =	shalt  }
0x60: {  	_ =	shalt  }
0x61: {  	_ =	shalt  }
0x62: {  	_ =	shalt  }
0x63: {  	_ =	shalt  }
0x64: {  	_ =	shalt  }
0x65: {  	_ =	shalt  }
0x66: {  	_ =	shalt  }
0x67: {  	_ =	shalt  }
0x68: {  	_ =	shalt  }
0x69: {  	_ =	shalt  }
0x6a: {  	_ =	shalt  }
0x6b: {  	_ =	shalt  }
0x6c: {  	_ =	shalt  }
0x6d: {  	_ =	shalt  }
0x6e: {  	_ =	shalt  }
0x6f: {  	_ =	shalt  }
0x70: {  	_ =	shalt  }
0x71: {  	_ =	shalt  }
0x72: {  	_ =	shalt  }
0x73: {  	_ =	shalt  }
0x74: {  	_ =	shalt  }
0x75: {  	_ =	shalt  }
0x76: {  	_ =	shalt  }
0x77: {  	_ =	shalt  }
0x78: {  	_ =	shalt  }
0x79: {  	_ =	shalt  }
0x7a: {  	_ =	shalt  }
0x7b: {  	_ =	shalt  }
0x7c: {  	_ =	shalt  }
0x7d: {  	_ =	shalt  }
0x7e: {  	_ =	shalt  }
0x7f: {  	_ =	shalt  }
0x80: {  	_ =	shalt  }
0x81: {  	_ =	shalt  }
0x82: {  	_ =	shalt  }
0x83: {  	_ =	shalt  }
0x84: {  	_ =	shalt  }
0x85: {  	_ =	shalt  }
0x86: {  	_ =	shalt  }
0x87: {  	_ =	shalt  }
.Lfunc_end0:
.L_simem_size_0:
called_computation.1_lowered:
.L_overlay_start_0:
0x88: {  	s2 =	sld [smem:$0x3FD9]  }
0x89: {  	s3 =	sld [smem:$0x3FFE];
	_ =	sdelay $0x1  }
0x8a: {  	s1 =	srdreg.scid  }
0x8b: {  	s0 =	sand.u32 $0x1, s1  }
0x8c: {  	s17 =	sshll.u32 s0, $0xA;
	s2 =	sadd.s32 s3, s2  }
0x8d: {  	s2 =	sadd.s32 s2, s17  }
0x8e: {  	[smem:$0x3FBA] =	sst s2  }
0x8f: {  	_ = 	snop  }
0x90: {  	s2 =	sld [smem:$0x3FD0];
	(tm) =	ssettm $0x1  }
0x91: {  	s18 =	sld [smem:$0x3FFB];
	_ =	sdelay $0x3  }
0x92: {  	_ =	strace s18  }
0x93: {  	s3 =	sld [smem:$0x3FFC];
	_ =	sdelay $0x3  }
0x94: {  	_ =	strace s3  }
0x95: {  	s3 =	sld [smem:$0x3FFD];
	_ =	sdelay $0x3  }
0x96: {  	_ =	strace s3  }
0x97: {  	_ =	strace $0x8FFFFFFF  }
0x98: {  	s19 =	sld [smem:$0x3FDB];
	_ =	sdelay $0x1  }
0x99: {  	s4 =	simm.s32 $_scs_section_size  }
0x9a: {  	s5 =	simm.s32 $_size__tile_overlayer_lowered;
	s6 =	simm.s32 $_tile_overlayer_lowered  }
0x9b: {  	s22 =	simm.s32 $0x1BFF;
	s21 =	sshll.u32 s6, $0x1;
	s3 =	sadd.s32 s4, s19  }
0x9c: {  	s7 =	simm.s32 $0x0;
	s20 =	sshll.u32 s5, $0x1;
	s5 =	sadd.s32 s21, s3  }
0x9d: {  	[timem:s7], [sflag:s22] =	dma.local [hbm:s5], s20  }
0x9e: {  	_ =	swait.ge [sflag:s22], s20  }
0x9f: {  	s4 =	ssub.s32 $0x0, s20;
	[sflag:s22] =	ssyncset.done $0x0  }
0xa0: {  	[sflag:s22] =	ssyncadd.s32 s4;
	_ =	sdelay $0x1  }
0xa1: {  	s23 =	simm.s32 $0x1B8B  }
0xa2: {  	_ =	swait.ge [sflag:s23], $0x1  }
0xa3: {  	[sflag:s23] =	ssyncset.done $0x0  }
0xa4: {  	s25 =	simm.s32 $0x1B8E;
	s24 =	sld [smem:$0x3FFE];
	[sflag:s23] =	ssyncadd.s32 $0xFFFFFFFF  }
0xa5: {  	s26 =	simm.s32 $execute0_lowered;
	[smem:$0x3FD2] =	sst s25  }
0xa6: {  	s5 =	sshll.u32 s26, $0x1;
	_ =	strace $0x80000049;
	[dreg:$0x1] =	wrdreg $0xFFFFFFFF  }
0xa7: {  	s28 =	simm.s32 $_size_execute0_lowered;
	s3 =	sadd.s32 s3, s5;
	[dreg:$0x0] =	wrdreg $0x0  }
0xa8: {  	s5 =	sshll.u32 s28, $0x1;
	[dreg:$0x2] =	wrdreg s3  }
0xa9: {  	[dreg:$0x3] =	wrdreg s5  }
0xaa: {  	[dreg:$0x4] =	wrdreg $0xC0  }
0xab: {  	_ =	task [dreg:s7], $0x5FFFF  }
0xac: {  	[dreg:$0x1] =	wrdreg $0xFFFFFFFF  }
0xad: {  	[dreg:$0x0] =	wrdreg $0x60  }
0xae: {  	[dreg:$0x2] =	wrdreg s2  }
0xaf: {  	[dreg:$0x3] =	wrdreg s24  }
0xb0: {  	[dreg:$0x4] =	wrdreg $0x0  }
0xb1: {  	[dreg:$0x5] =	wrdreg $0x9  }
0xb2: {  	_ =	task.clear_ibuf [dreg:s7], $0x6FFFF;
	_ =	strace $0x90000049  }
0xb3: {  	s29 =	simm.s32 $0x9;
	_ =	strace $0x8000004B  }
0xb4: {  	_ =	swait.ge [sflag:s29], $0x1  }
0xb5: {  	[sflag:s29] =	ssyncadd.s32 $0xFFFFFFFF  }
0xb6: {  	_ =	strace $0x9000004B  }
0xb7: {  	_ =	sfence  }
0xb8: {  	s30 =	sld [smem:$0x0];
	_ =	sdelay $0x2  }
0xb9: {  	s31 =	sshll.u32 s1, $0xD;
	s1 =	sshrl.u32 s1, $0x2  }
0xba: {  	s3 =	sand.u32 $0x4000, s31;
	s1 =	sadd.s32 s1, s30  }
0xbb: {  	s0 =	sor.u32 s3, s0;
	s1 =	sshll.u32 s1, $0x11  }
0xbc: {  	s0 =	sor.u32 s1, s0  }
0xbd: {  	s0 =	sadd.s32 $0x8F2B, s0  }
0xbe: {  	[sflag:s0] =	ssyncadd.remote.s32 $0x1  }
0xbf: {  	_ =	sfence.sel $0xFFFF  }
0xc0: {  	[dreg:$0x0] =	wrdreg $0xFFFFFFFF;
	(pc) =	sbr.abs _section_cstart, $3  }
0xc1: {  	[dreg:$0x1] =	wrdreg $0xFFFFFFFF  }
0xc2: {  	_ =	task.clear_ibuf [dreg:s7], $0x2FFFF;
	_ =	strace $0x9FFFFFFF  }
0xc3: {  	(tm) =	ssettm $0x7FFFFFFF  }
tec
execute0_lowered:
.L_overlay_start_1:
0x0: {  	(tag) =	ssettag $0x1  }
0x1: {  	s1 =	rddreg [dreg:$0x0]  }
0x2: {  	s2 =	srdreg.scid;
	s6 =	rddreg [dreg:$0x1]  }
0x3: {  	s0 =	stileid.u32;
	s3 =	rddreg [dreg:$0x2];
	s4 =	simm.s32 $0x0  }
0x4: {  	s14 =	simm.s32 $0x17400;
	s15 =	simm.s32 $0x64;
	s16 =	simm.s32 $0x1A800  }
0x5: {  	s17 =	simm.s32 $0x1;
	s18 =	simm.s32 $0x0;
	s8 =	smul.u32 $0x14000, s0  }
0x6: {  	s5 =	sand.u32 $0x1, s2;
	s25 =	sshll.u32 s0, $0x1;
	s28 =	smul.u32 $0x50000, s0  }
0x7: {  	[smem:$0x7FF] =	sst s4;
	s2 =	sor.u32 s5, s25;
	s9 =	smul.u32 $0x140000, s5  }
0x8: {  	s31 =	sshll.u32 s0, $0x6;
	s5 =	ssub.s32 $0x2, s5;
	s7 =	smul.u32 $0x680, s2  }
0x9: {  	s2 =	rddreg [dreg:$0x3];
	_ =	strace $0x8000004A;
	s26 =	sshrl.u32 s8, $0x3  }
0xa: {  	s29 =	sshrl.u32 s5, $0x1;
	s30 =	sshrl.u32 s28, $0x2;
	s8 =	sadd.s32 s8, s9  }
0xb: {  	s12 =	ssub.s32 s5, s29;
	s13 =	sadd.s32 s30, s3;
	s8 =	sshrl.u32 s8, $0x3  }
0xc: {  	s10 =	sadd.s32 s7, s6;
	s7 =	sadd.s32 s26, s6;
	s11 =	sadd.s32 s8, s6  }
0xd: {  	s5 =	sadd.s32 $0x1D200, s7;
	s6 =	sor.u32 $0x1C02, s31;
	s7 =	sadd.s32 $0x10200, s10  }
0xe: {  	s8 =	sadd.s32 $0x3200, s10;
	s10 =	smax.u32 s12, $0x1;
	s12 =	simm.s32 $0x2  }
0xf: {  	s9 =	sadd.s32 $0x45200, s11;
	s11 =	sshrl.u32 s13, $0x3;
	s13 =	simm.s32 $0x14000  }
.LBB2_1:
0x10: {  	[spmem:s11], [sflag:s6] =	dma.local [hbm:s5], $0x2800  }
0x11: {  	_ =	swait.ge [sflag:s12], $0x2800  }
0x12: {  	[sflag:s12] =	ssyncset.done $0x0  }
0x13: {  	[sflag:s12] =	ssyncadd.s32 $0xFFFFD800  }
0x14: {  	[tilespmem:s13], [sflag:$0x2] =	stream.linear.gather [hbm4b:s7+s4], $0x3200, $0x38;
	[tilespmem:$0x1DC00] =	vst v63  }
0x15: {  	_ =	swait.ge [sflag:s12], $0x3200  }
0x16: {  	[sflag:s12] =	ssyncset.done $0x0  }
0x17: {  	[sflag:s12] =	ssyncadd.s32 $0xFFFFCE00  }
0x18: {  	[tilespmem:s14], [sflag:$0x2] =	stream.linear.gather [hbm4b:s8+s4], $0x3200, $0x38;
	[tilespmem:$0x1DC00] =	vst v63  }
0x19: {  	_ =	swait.ge [sflag:s12], $0x3200  }
0x1a: {  	[sflag:s12] =	ssyncset.done $0x0  }
0x1b: {  	[sflag:s12] =	ssyncadd.s32 $0xFFFFCE00  }
0x1c: {  	s19 =	simm.s32 $0x14000;
	[bflag:$0x0] =	sbarrier.arrive $0xFFFF  }
0x1d: {  	[tilespmem:s16], [sflag:$0x1] =	stream.indirect.gather [hbm4b:s1+s15], $0x80, s19, s15, $0xb8;
	[tilespmem:$0x1DC00] =	vst v63  }
0x1e: {  	_ =	swait.ge [sflag:s17], $0x3200  }
0x1f: {  	[sflag:s17] =	ssyncset.done $0x0  }
0x20: {  	s31 =	simm.s32 $0x17400;
	[sflag:s17] =	ssyncadd.s32 $0xFFFFCE00  }
0x21: {  	[spmem:s3] =	stream.indirect.scatter.add.f32 [tilespmem:s16], [sflag:$0x2], $0x80, s31, s15, $0xb8;
	[tilespmem:$0x1DC00] =	vst v63  }
0x22: {  	_ =	swait.ge [sflag:s12], $0x3200  }
0x23: {  	s20 =	simm.s32 $0x400;
	s19 =	simm.s32 $0x80;
	[sflag:s12] =	ssyncset.done $0x0  }
.LBB2_2:
0x24: {  	s21 =	sadd.s32 $0x14000, s19  }
0x25: {  	[sflag:s12] =	ssyncadd.s32 $0xFFFFCE00;
	s22 =	smov.u32 s20;
	s23 =	sadd.s32 $0x200, s20  }
0x26: {  	[tilespmem:s16], [sflag:$0x1] =	stream.indirect.gather [hbm4b:s1+s15], $0x80, s21, s15, $0xb8;
	[tilespmem:$0x1DC00] =	vst v63  }
0x27: {  	p0 =	sne.s32 s20, $0xC600;
	_ =	swait.ge [sflag:s17], $0x3200  }
.Ltmp0:
0x28: {  	[sflag:s17] =	ssyncset.done $0x0;
	(pc) =	sbr.rel @p0 .LBB2_2-.Ltmp0, $4  }
0x29: {  	s19 =	sadd.s32 $0x17400, s19;
	[sflag:s17] =	ssyncadd.s32 $0xFFFFCE00  }
0x2a: {  	[spmem:s3] =	stream.indirect.scatter.add.f32 [tilespmem:s16], [sflag:$0x2], $0x80, s19, s15, $0xb8;
	[tilespmem:$0x1DC00] =	vst v63  }
0x2b: {  	_ =	swait.ge [sflag:s12], $0x3200  }
0x2c: {  	s20 =	smov.u32 s23;
	s19 =	sshra.s32 s22, $0x2;
	[sflag:s12] =	ssyncset.done $0x0  }
0x2d: {  	s20 =	sadd.s32 $0x14000, s19;
	[sflag:s12] =	ssyncadd.s32 $0xFFFFCE00  }
0x2e: {  	[tilespmem:s16], [sflag:$0x1] =	stream.indirect.gather [hbm4b:s1+s15], $0x80, s20, s15, $0xb8;
	[tilespmem:$0x1DC00] =	vst v63  }
0x2f: {  	_ =	swait.ge [sflag:s17], $0x3200  }
0x30: {  	[sflag:s17] =	ssyncset.done $0x0  }
0x31: {  	s31 =	sadd.s32 $0x17400, s19;
	[sflag:s17] =	ssyncadd.s32 $0xFFFFCE00  }
0x32: {  	[spmem:s3] =	stream.indirect.scatter.add.f32 [tilespmem:s16], [sflag:$0x2], $0x80, s31, s15, $0xb8;
	[tilespmem:$0x1DC00] =	vst v63  }
0x33: {  	_ =	swait.ge [sflag:s12], $0x3200  }
0x34: {  	s18 =	sadd.s32 $0x1, s18;
	[sflag:s12] =	ssyncset.done $0x0  }
0x35: {  	p0 =	sne.s32 s18, s10;
	[sflag:s12] =	ssyncadd.s32 $0xFFFFCE00  }
.Ltmp1:
0x36: {  	[bflag:$0x0] =	sbarrier.arrive $0xFFFF;
	(pc) =	sbr.rel @p0 .LBB2_1-.Ltmp1, $4  }
0x37: {  	[hbm:s9], [sflag:s6] =	dma.local [spmem:s11], $0x2800  }
0x38: {  	_ =	swait.ge [sflag:s12], $0x2800  }
0x39: {  	[sflag:s12] =	ssyncset.done $0x0  }
0x3a: {  	[sflag:s12] =	ssyncadd.s32 $0xFFFFD800  }
0x3b: {  	_ =	sfence.sel $0x180000  }
0x3c: {  	[bflag:$0x0] =	sbarrier.arrive $0xFFFF  }
0x3d: {  	p0 =	sne.s32 s0, $0x0;
	_ =	strace $0x9000004A  }
0x3e: {  	s0 =	sadd.s32 @!p0 $0x100000, s2;
	[bflag:$0x2] =	sbarrier.arrive $0xFFFF  }
0x3f: {  	[sflag:s0] =	ssyncadd.tile.s32 @!p0 $0x1;
	_ =	shalt  }
.Lfunc_end2:
_tile_overlayer_lowered:
.L_overlay_start_2:
0x40: {  	(tag) =	ssettag $0x2  }
0x41: {  	s0 =	rddreg [dreg:$0x0];
	s2 =	stileid.u32  }
0x42: {  	s1 =	rddreg [dreg:$0x1];
	p0 =	sne.s32 s2, $0x0  }
0x43: {  	s3 =	rddreg [dreg:$0x2];
	[bflag:$0x3] =	sbarrier.arrive $0xFFFF;
	s2 =	simm.s32 @!p0 $0x1C02  }
0x44: {  	[timem:s3], [sflag:s2] =	dma.local @!p0 [hbm:s0], s1  }
0x45: {  	s0 =	simm.s32 @!p0 $0x2  }
0x46: {  	_ =	swait.ge @!p0 [sflag:s0], s1  }
0x47: {  	s1 =	ssub.s32 @!p0 $0x0, s1;
	[sflag:s0] =	ssyncset.done @!p0 $0x0  }
0x48: {  	[sflag:s0] =	ssyncadd.s32 @!p0 s1  }
0x49: {  	[bflag:$0x3] =	sbarrier.arrive $0xFFFF  }
0x4a: {  	_ =	shalt  }

// kernel: kernel.14.cloned.1.call-start
scs
__scs_entry_jumppad:
0x0: {  	(pc) =	sbr.rel $0x88, $3  }
0x1: {  	(tag) =	ssettag $0x0;
	lr =	simm.s32 $0x1  }
0x2: {  	[smem:$0x3F93] =	sst lr;
	_ =	strace $0xD0000000  }
0x3: {  	_ = 	snop  }
0x4: {  	_ = 	snop  }
0x5: {  	_ = 	snop  }
0x6: {  	_ = 	snop  }
0x7: {  	_ = 	snop  }
__scs_overlays_trampoline_lowered:
0x8: {  	[smem:$0x3FA2] =	sst s0  }
0x9: {  	[smem:$0x3FA3] =	sst s1  }
0xa: {  	[smem:$0x3FA4] =	sst s2  }
0xb: {  	[smem:$0x3FA5] =	sst s3  }
0xc: {  	[smem:$0x3FA6] =	sst s4  }
0xd: {  	[smem:$0x3FA7] =	sst s5  }
0xe: {  	[smem:$0x3FA8] =	sst s6  }
0xf: {  	[smem:$0x3FA9] =	sst s7  }
0x10: {  	[smem:$0x3FAA] =	sst s8  }
0x11: {  	[smem:$0x3FAB] =	sst s9;
	s0 =	simm.s32 @!p0 $0x0  }
0x12: {  	s1 =	sld [smem:$0x3F91];
	s0 =	simm.s32 @p0 $0x1  }
0x13: {  	[smem:$0x3FAC] =	sst s0;
	s0 =	simm.s32 @!p1 $0x0  }
0x14: {  	s2 =	sld [smem:$0x3F90];
	s0 =	simm.s32 @p1 $0x1  }
0x15: {  	[smem:$0x3FAD] =	sst s0;
	s0 =	simm.s32 @!p2 $0x0  }
0x16: {  	s3 =	sld [smem:$0x3FDB];
	s0 =	simm.s32 @p2 $0x1  }
0x17: {  	s4 =	simm.s32 $0x1BF5;
	[smem:$0x3FAF] =	sst s0  }
0x18: {  	s0 =	sld [smem:$0x3F92];
	_ =	swait.ge [sflag:s4], $0x0  }
0x19: {  	s7 =	sld [smem:$0x3F93]  }
0x1a: {  	s8 =	sadd.s32 $0xFFFFE003, lr  }
0x1b: {  	s9 =	sadd.s32 $0xFFFFFEF7, lr;
	s5 =	simm.s32 $0xFFFFFFFF;
	p2 =	slt.u32 s8, $0xFFFFF086  }
0x1c: {  	p1 =	slt.u32 s9, $0xF7A;
	s5 =	simm.s32 @!p2 $0x0  }
0x1d: {  	s5 =	simm.s32 @p1 $0x1;
	p0 =	seq.s32 s7, s2  }
0x1e: {  	s7 =	smul.u32 @!p0 $0xF7A, s2;
	p2 =	seq.s32 @!p0 s5, $0x0  }
0x1f: {  	s9 =	smul.u32 $0xF7A, s1;
	s8 =	simm.s32 @!p0 $0x1BF5;
	p2 =	por !p2, p0  }
0x20: {  	[sflag:s8] =	ssyncset.s32 @!p0 $0xFFFFF086;
	s6 =	sadd.s32 @!p0 s3, s7;
	s7 =	simm.s32 @!p0 $0x108  }
0x21: {  	s3 =	sadd.s32 s3, s9;
	s6 =	sadd.s32 @!p0 $0x88, s6;
	s7 =	simm.s32 @p2 $0x1082  }
0x22: {  	[simem:s7], [sflag:s8] =	dma.local @!p0 [hbm:s6], $0xF7A  }
0x23: {  	s9 =	sor.u32 $0xD0000000, s2;
	s6 =	simm.s32 $0x108;
	_ =	swait.ge @!p0 [sflag:s8], $0x0  }
0x24: {  	s3 =	sadd.s32 $0x88, s3;
	s6 =	simm.s32 @!p1 $0x1082;
	[sflag:s4] =	ssyncset.s32 $0xFFFFF086  }
0x25: {  	[simem:s6], [sflag:s4] =	dma.local [hbm:s3], $0xF7A  }
0x26: {  	[smem:$0x3F93] =	sst s1;
	(tag) =	ssettag s2;
	_ =	strace s9  }
0x27: {  	s1 =	sld [smem:$0x3FA3]  }
0x28: {  	s2 =	sld [smem:$0x3FA4]  }
0x29: {  	s4 =	sld [smem:$0x3FA6]  }
0x2a: {  	p0 =	seq.s32 s5, $0x0;
	s5 =	sld [smem:$0x3FA7]  }
0x2b: {  	s6 =	sld [smem:$0x3FA8]  }
0x2c: {  	s7 =	sld [smem:$0x3FA9]  }
0x2d: {  	s3 =	simm.s32 $0x108;
	s8 =	sld [smem:$0x3FAA]  }
0x2e: {  	s3 =	simm.s32 @!p0 $0x1082;
	s9 =	sld [smem:$0x3FAB]  }
0x2f: {  	lr =	sadd.s32 s0, s3;
	s0 =	sld [smem:$0x3FA2]  }
0x30: {  	s3 =	sld [smem:$0x3FA5]  }
0x31: {  	[smem:$0x3FAE] =	sst s10  }
0x32: {  	s10 =	sld [smem:$0x3FAC];
	_ =	sdelay $0x3  }
0x33: {  	p0 =	seq.s32 s10, $0x1;
	s10 =	sld [smem:$0x3FAE];
	_ =	sdelay $0x3  }
0x34: {  	[smem:$0x3FAE] =	sst s10  }
0x35: {  	s10 =	sld [smem:$0x3FAD];
	_ =	sdelay $0x3  }
0x36: {  	p1 =	seq.s32 s10, $0x1;
	s10 =	sld [smem:$0x3FAE];
	_ =	sdelay $0x3  }
0x37: {  	[smem:$0x3FAE] =	sst s10  }
0x38: {  	s10 =	sld [smem:$0x3FAF]  }
0x39: {  	_ = 	snop;
	(pc) =	sbr.ind lr, $3  }
0x3a: {  	_ = 	snop  }
0x3b: {  	_ = 	snop  }
0x3c: {  	p2 =	seq.s32 s10, $0x1;
	s10 =	sld [smem:$0x3FAE]  }
0x3d: {  	_ =	shalt  }
0x3e: {  	_ =	shalt  }
0x3f: {  	_ =	shalt  }
0x40: {  	_ =	shalt  }
0x41: {  	_ =	shalt  }
0x42: {  	_ =	shalt  }
0x43: {  	_ =	shalt  }
0x44: {  	_ =	shalt  }
0x45: {  	_ =	shalt  }
0x46: {  	_ =	shalt  }
0x47: {  	_ =	shalt  }
0x48: {  	_ =	shalt  }
0x49: {  	_ =	shalt  }
0x4a: {  	_ =	shalt  }
0x4b: {  	_ =	shalt  }
0x4c: {  	_ =	shalt  }
0x4d: {  	_ =	shalt  }
0x4e: {  	_ =	shalt  }
0x4f: {  	_ =	shalt  }
0x50: {  	_ =	shalt  }
0x51: {  	_ =	shalt  }
0x52: {  	_ =	shalt  }
0x53: {  	_ =	shalt  }
0x54: {  	_ =	shalt  }
0x55: {  	_ =	shalt  }
0x56: {  	_ =	shalt  }
0x57: {  	_ =	shalt  }
0x58: {  	_ =	shalt  }
0x59: {  	_ =	shalt  }
0x5a: {  	_ =	shalt  }
0x5b: {  	_ =	shalt  }
0x5c: {  	_ =	shalt  }
0x5d: {  	_ =	shalt  }
0x5e: {  	_ =	shalt  }
0x5f: {  	_ =	shalt  }
0x60: {  	_ =	shalt  }
0x61: {  	_ =	shalt  }
0x62: {  	_ =	shalt  }
0x63: {  	_ =	shalt  }
0x64: {  	_ =	shalt  }
0x65: {  	_ =	shalt  }
0x66: {  	_ =	shalt  }
0x67: {  	_ =	shalt  }
0x68: {  	_ =	shalt  }
0x69: {  	_ =	shalt  }
0x6a: {  	_ =	shalt  }
0x6b: {  	_ =	shalt  }
0x6c: {  	_ =	shalt  }
0x6d: {  	_ =	shalt  }
0x6e: {  	_ =	shalt  }
0x6f: {  	_ =	shalt  }
0x70: {  	_ =	shalt  }
0x71: {  	_ =	shalt  }
0x72: {  	_ =	shalt  }
0x73: {  	_ =	shalt  }
0x74: {  	_ =	shalt  }
0x75: {  	_ =	shalt  }
0x76: {  	_ =	shalt  }
0x77: {  	_ =	shalt  }
0x78: {  	_ =	shalt  }
0x79: {  	_ =	shalt  }
0x7a: {  	_ =	shalt  }
0x7b: {  	_ =	shalt  }
0x7c: {  	_ =	shalt  }
0x7d: {  	_ =	shalt  }
0x7e: {  	_ =	shalt  }
0x7f: {  	_ =	shalt  }
0x80: {  	_ =	shalt  }
0x81: {  	_ =	shalt  }
0x82: {  	_ =	shalt  }
0x83: {  	_ =	shalt  }
0x84: {  	_ =	shalt  }
0x85: {  	_ =	shalt  }
0x86: {  	_ =	shalt  }
0x87: {  	_ =	shalt  }
.Lfunc_end0:
.L_simem_size_0:
called_computation.2_lowered:
.L_overlay_start_0:
0x88: {  	s2 =	sld [smem:$0x3FD9]  }
0x89: {  	s3 =	sld [smem:$0x3FFE];
	_ =	sdelay $0x1  }
0x8a: {  	s1 =	srdreg.scid  }
0x8b: {  	s0 =	sand.u32 $0x1, s1  }
0x8c: {  	s17 =	sshll.u32 s0, $0xA;
	s2 =	sadd.s32 s3, s2  }
0x8d: {  	s2 =	sadd.s32 s2, s17  }
0x8e: {  	[smem:$0x3FBA] =	sst s2  }
0x8f: {  	_ = 	snop  }
0x90: {  	s2 =	sld [smem:$0x3FD0];
	(tm) =	ssettm $0x1  }
0x91: {  	s18 =	sld [smem:$0x3FFB];
	_ =	sdelay $0x3  }
0x92: {  	_ =	strace s18  }
0x93: {  	s3 =	sld [smem:$0x3FFC];
	_ =	sdelay $0x3  }
0x94: {  	_ =	strace s3  }
0x95: {  	s3 =	sld [smem:$0x3FFD];
	_ =	sdelay $0x3  }
0x96: {  	_ =	strace s3  }
0x97: {  	_ =	strace $0x8FFFFFFF  }
0x98: {  	s19 =	sld [smem:$0x3FDB];
	_ =	sdelay $0x1  }
0x99: {  	s4 =	simm.s32 $_scs_section_size  }
0x9a: {  	s5 =	simm.s32 $_size__tile_overlayer_lowered;
	s6 =	simm.s32 $_tile_overlayer_lowered  }
0x9b: {  	s22 =	simm.s32 $0x1BFF;
	s21 =	sshll.u32 s6, $0x1;
	s3 =	sadd.s32 s4, s19  }
0x9c: {  	s7 =	simm.s32 $0x0;
	s20 =	sshll.u32 s5, $0x1;
	s5 =	sadd.s32 s21, s3  }
0x9d: {  	[timem:s7], [sflag:s22] =	dma.local [hbm:s5], s20  }
0x9e: {  	_ =	swait.ge [sflag:s22], s20  }
0x9f: {  	s4 =	ssub.s32 $0x0, s20;
	[sflag:s22] =	ssyncset.done $0x0  }
0xa0: {  	[sflag:s22] =	ssyncadd.s32 s4;
	_ =	sdelay $0x1  }
0xa1: {  	s23 =	simm.s32 $0x1B8B  }
0xa2: {  	_ =	swait.ge [sflag:s23], $0x1  }
0xa3: {  	[sflag:s23] =	ssyncset.done $0x0  }
0xa4: {  	s25 =	simm.s32 $0x1B8E;
	s24 =	sld [smem:$0x3FFE];
	[sflag:s23] =	ssyncadd.s32 $0xFFFFFFFF  }
0xa5: {  	s26 =	simm.s32 $execute0_lowered;
	[smem:$0x3FD2] =	sst s25  }
0xa6: {  	s5 =	sshll.u32 s26, $0x1;
	_ =	strace $0x8000004C;
	[dreg:$0x1] =	wrdreg $0xFFFFFFFF  }
0xa7: {  	s28 =	simm.s32 $_size_execute0_lowered;
	s3 =	sadd.s32 s3, s5;
	[dreg:$0x0] =	wrdreg $0x0  }
0xa8: {  	s5 =	sshll.u32 s28, $0x1;
	[dreg:$0x2] =	wrdreg s3  }
0xa9: {  	[dreg:$0x3] =	wrdreg s5  }
0xaa: {  	[dreg:$0x4] =	wrdreg $0xC0  }
0xab: {  	_ =	task [dreg:s7], $0x5FFFF  }
0xac: {  	[dreg:$0x1] =	wrdreg $0xFFFFFFFF  }
0xad: {  	[dreg:$0x0] =	wrdreg $0x60  }
0xae: {  	[dreg:$0x2] =	wrdreg s2  }
0xaf: {  	[dreg:$0x3] =	wrdreg s24  }
0xb0: {  	[dreg:$0x4] =	wrdreg $0x0  }
0xb1: {  	[dreg:$0x5] =	wrdreg $0x9  }
0xb2: {  	_ =	task.clear_ibuf [dreg:s7], $0x6FFFF;
	_ =	strace $0x9000004C  }
0xb3: {  	s29 =	simm.s32 $0x9;
	_ =	strace $0x8000004E  }
0xb4: {  	_ =	swait.ge [sflag:s29], $0x1  }
0xb5: {  	[sflag:s29] =	ssyncadd.s32 $0xFFFFFFFF  }
0xb6: {  	_ =	strace $0x9000004E  }
0xb7: {  	_ =	sfence  }
0xb8: {  	s30 =	sld [smem:$0x0];
	_ =	sdelay $0x2  }
0xb9: {  	s31 =	sshll.u32 s1, $0xD;
	s1 =	sshrl.u32 s1, $0x2  }
0xba: {  	s3 =	sand.u32 $0x4000, s31;
	s1 =	sadd.s32 s1, s30  }
0xbb: {  	s0 =	sor.u32 s3, s0;
	s1 =	sshll.u32 s1, $0x11  }
0xbc: {  	s0 =	sor.u32 s1, s0  }
0xbd: {  	s0 =	sadd.s32 $0x8F2B, s0  }
0xbe: {  	[sflag:s0] =	ssyncadd.remote.s32 $0x1  }
0xbf: {  	_ =	sfence.sel $0xFFFF  }
0xc0: {  	[dreg:$0x0] =	wrdreg $0xFFFFFFFF;
	(pc) =	sbr.abs _section_cstart, $3  }
0xc1: {  	[dreg:$0x1] =	wrdreg $0xFFFFFFFF  }
0xc2: {  	_ =	task.clear_ibuf [dreg:s7], $0x2FFFF;
	_ =	strace $0x9FFFFFFF  }
0xc3: {  	(tm) =	ssettm $0x7FFFFFFF  }
tec
execute0_lowered:
.L_overlay_start_1:
0x0: {  	(tag) =	ssettag $0x1  }
0x1: {  	s1 =	rddreg [dreg:$0x0]  }
0x2: {  	s2 =	srdreg.scid;
	s6 =	rddreg [dreg:$0x1]  }
0x3: {  	s0 =	stileid.u32;
	s3 =	rddreg [dreg:$0x2];
	s4 =	simm.s32 $0x0  }
0x4: {  	s14 =	simm.s32 $0x17400;
	s15 =	simm.s32 $0x64;
	s16 =	simm.s32 $0x1A800  }
0x5: {  	s17 =	simm.s32 $0x1;
	s18 =	simm.s32 $0x0;
	s8 =	smul.u32 $0x14000, s0  }
0x6: {  	s5 =	sand.u32 $0x1, s2;
	s25 =	sshll.u32 s0, $0x1;
	s28 =	smul.u32 $0x50000, s0  }
0x7: {  	[smem:$0x7FF] =	sst s4;
	s2 =	sor.u32 s5, s25;
	s9 =	smul.u32 $0x140000, s5  }
0x8: {  	s31 =	sshll.u32 s0, $0x6;
	s5 =	ssub.s32 $0x2, s5;
	s7 =	smul.u32 $0x680, s2  }
0x9: {  	s2 =	rddreg [dreg:$0x3];
	_ =	strace $0x8000004D;
	s26 =	sshrl.u32 s8, $0x3  }
0xa: {  	s29 =	sshrl.u32 s5, $0x1;
	s30 =	sshrl.u32 s28, $0x2;
	s8 =	sadd.s32 s8, s9  }
0xb: {  	s12 =	ssub.s32 s5, s29;
	s13 =	sadd.s32 s30, s3;
	s8 =	sshrl.u32 s8, $0x3  }
0xc: {  	s10 =	sadd.s32 s7, s6;
	s7 =	sadd.s32 s26, s6;
	s11 =	sadd.s32 s8, s6  }
0xd: {  	s5 =	sadd.s32 $0x1D200, s7;
	s6 =	sor.u32 $0x1C02, s31;
	s7 =	sadd.s32 $0x10200, s10  }
0xe: {  	s8 =	sadd.s32 $0x3200, s10;
	s10 =	smax.u32 s12, $0x1;
	s12 =	simm.s32 $0x2  }
0xf: {  	s9 =	sadd.s32 $0x45200, s11;
	s11 =	sshrl.u32 s13, $0x3;
	s13 =	simm.s32 $0x14000  }
.LBB2_1:
0x10: {  	[spmem:s11], [sflag:s6] =	dma.local [hbm:s5], $0x2800  }
0x11: {  	_ =	swait.ge [sflag:s12], $0x2800  }
0x12: {  	[sflag:s12] =	ssyncset.done $0x0  }
0x13: {  	[sflag:s12] =	ssyncadd.s32 $0xFFFFD800  }
0x14: {  	[tilespmem:s13], [sflag:$0x2] =	stream.linear.gather [hbm4b:s7+s4], $0x3200, $0x38;
	[tilespmem:$0x1DC00] =	vst v63  }
0x15: {  	_ =	swait.ge [sflag:s12], $0x3200  }
0x16: {  	[sflag:s12] =	ssyncset.done $0x0  }
0x17: {  	[sflag:s12] =	ssyncadd.s32 $0xFFFFCE00  }
0x18: {  	[tilespmem:s14], [sflag:$0x2] =	stream.linear.gather [hbm4b:s8+s4], $0x3200, $0x38;
	[tilespmem:$0x1DC00] =	vst v63  }
0x19: {  	_ =	swait.ge [sflag:s12], $0x3200  }
0x1a: {  	[sflag:s12] =	ssyncset.done $0x0  }
0x1b: {  	[sflag:s12] =	ssyncadd.s32 $0xFFFFCE00  }
0x1c: {  	s19 =	simm.s32 $0x14000;
	[bflag:$0x0] =	sbarrier.arrive $0xFFFF  }
0x1d: {  	[tilespmem:s16], [sflag:$0x1] =	stream.indirect.gather [hbm4b:s1+s15], $0x80, s19, s15, $0xb8;
	[tilespmem:$0x1DC00] =	vst v63  }
0x1e: {  	_ =	swait.ge [sflag:s17], $0x3200  }
0x1f: {  	[sflag:s17] =	ssyncset.done $0x0  }
0x20: {  	s31 =	simm.s32 $0x17400;
	[sflag:s17] =	ssyncadd.s32 $0xFFFFCE00  }
0x21: {  	[spmem:s3] =	stream.indirect.scatter.add.f32 [tilespmem:s16], [sflag:$0x2], $0x80, s31, s15, $0xb8;
	[tilespmem:$0x1DC00] =	vst v63  }
0x22: {  	_ =	swait.ge [sflag:s12], $0x3200  }
0x23: {  	s20 =	simm.s32 $0x400;
	s19 =	simm.s32 $0x80;
	[sflag:s12] =	ssyncset.done $0x0  }
.LBB2_2:
0x24: {  	s21 =	sadd.s32 $0x14000, s19  }
0x25: {  	[sflag:s12] =	ssyncadd.s32 $0xFFFFCE00;
	s22 =	smov.u32 s20;
	s23 =	sadd.s32 $0x200, s20  }
0x26: {  	[tilespmem:s16], [sflag:$0x1] =	stream.indirect.gather [hbm4b:s1+s15], $0x80, s21, s15, $0xb8;
	[tilespmem:$0x1DC00] =	vst v63  }
0x27: {  	p0 =	sne.s32 s20, $0xC600;
	_ =	swait.ge [sflag:s17], $0x3200  }
.Ltmp0:
0x28: {  	[sflag:s17] =	ssyncset.done $0x0;
	(pc) =	sbr.rel @p0 .LBB2_2-.Ltmp0, $4  }
0x29: {  	s19 =	sadd.s32 $0x17400, s19;
	[sflag:s17] =	ssyncadd.s32 $0xFFFFCE00  }
0x2a: {  	[spmem:s3] =	stream.indirect.scatter.add.f32 [tilespmem:s16], [sflag:$0x2], $0x80, s19, s15, $0xb8;
	[tilespmem:$0x1DC00] =	vst v63  }
0x2b: {  	_ =	swait.ge [sflag:s12], $0x3200  }
0x2c: {  	s20 =	smov.u32 s23;
	s19 =	sshra.s32 s22, $0x2;
	[sflag:s12] =	ssyncset.done $0x0  }
0x2d: {  	s20 =	sadd.s32 $0x14000, s19;
	[sflag:s12] =	ssyncadd.s32 $0xFFFFCE00  }
0x2e: {  	[tilespmem:s16], [sflag:$0x1] =	stream.indirect.gather [hbm4b:s1+s15], $0x80, s20, s15, $0xb8;
	[tilespmem:$0x1DC00] =	vst v63  }
0x2f: {  	_ =	swait.ge [sflag:s17], $0x3200  }
0x30: {  	[sflag:s17] =	ssyncset.done $0x0  }
0x31: {  	s31 =	sadd.s32 $0x17400, s19;
	[sflag:s17] =	ssyncadd.s32 $0xFFFFCE00  }
0x32: {  	[spmem:s3] =	stream.indirect.scatter.add.f32 [tilespmem:s16], [sflag:$0x2], $0x80, s31, s15, $0xb8;
	[tilespmem:$0x1DC00] =	vst v63  }
0x33: {  	_ =	swait.ge [sflag:s12], $0x3200  }
0x34: {  	s18 =	sadd.s32 $0x1, s18;
	[sflag:s12] =	ssyncset.done $0x0  }
0x35: {  	p0 =	sne.s32 s18, s10;
	[sflag:s12] =	ssyncadd.s32 $0xFFFFCE00  }
.Ltmp1:
0x36: {  	[bflag:$0x0] =	sbarrier.arrive $0xFFFF;
	(pc) =	sbr.rel @p0 .LBB2_1-.Ltmp1, $4  }
0x37: {  	[hbm:s9], [sflag:s6] =	dma.local [spmem:s11], $0x2800  }
0x38: {  	_ =	swait.ge [sflag:s12], $0x2800  }
0x39: {  	[sflag:s12] =	ssyncset.done $0x0  }
0x3a: {  	[sflag:s12] =	ssyncadd.s32 $0xFFFFD800  }
0x3b: {  	_ =	sfence.sel $0x180000  }
0x3c: {  	[bflag:$0x0] =	sbarrier.arrive $0xFFFF  }
0x3d: {  	p0 =	sne.s32 s0, $0x0;
	_ =	strace $0x9000004D  }
0x3e: {  	s0 =	sadd.s32 @!p0 $0x100000, s2;
	[bflag:$0x2] =	sbarrier.arrive $0xFFFF  }
0x3f: {  	[sflag:s0] =	ssyncadd.tile.s32 @!p0 $0x1;
	_ =	shalt  }
.Lfunc_end2:
_tile_overlayer_lowered:
.L_overlay_start_2:
0x40: {  	(tag) =	ssettag $0x2  }
0x41: {  	s0 =	rddreg [dreg:$0x0];
	s2 =	stileid.u32  }
0x42: {  	s1 =	rddreg [dreg:$0x1];
	p0 =	sne.s32 s2, $0x0  }
0x43: {  	s3 =	rddreg [dreg:$0x2];
	[bflag:$0x3] =	sbarrier.arrive $0xFFFF;
	s2 =	simm.s32 @!p0 $0x1C02  }
0x44: {  	[timem:s3], [sflag:s2] =	dma.local @!p0 [hbm:s0], s1  }
0x45: {  	s0 =	simm.s32 @!p0 $0x2  }
0x46: {  	_ =	swait.ge @!p0 [sflag:s0], s1  }
0x47: {  	s1 =	ssub.s32 @!p0 $0x0, s1;
	[sflag:s0] =	ssyncset.done @!p0 $0x0  }
0x48: {  	[sflag:s0] =	ssyncadd.s32 @!p0 s1  }
0x49: {  	[bflag:$0x3] =	sbarrier.arrive $0xFFFF  }
0x4a: {  	_ =	shalt  }

// kernel: kernel.8.cloned.1.call-start
scs
__scs_entry_jumppad:
0x0: {  	(pc) =	sbr.rel $0x88, $3  }
0x1: {  	(tag) =	ssettag $0x0;
	lr =	simm.s32 $0x1  }
0x2: {  	[smem:$0x3F93] =	sst lr;
	_ =	strace $0xD0000000  }
0x3: {  	_ = 	snop  }
0x4: {  	_ = 	snop  }
0x5: {  	_ = 	snop  }
0x6: {  	_ = 	snop  }
0x7: {  	_ = 	snop  }
__scs_overlays_trampoline_lowered:
0x8: {  	[smem:$0x3FA2] =	sst s0  }
0x9: {  	[smem:$0x3FA3] =	sst s1  }
0xa: {  	[smem:$0x3FA4] =	sst s2  }
0xb: {  	[smem:$0x3FA5] =	sst s3  }
0xc: {  	[smem:$0x3FA6] =	sst s4  }
0xd: {  	[smem:$0x3FA7] =	sst s5  }
0xe: {  	[smem:$0x3FA8] =	sst s6  }
0xf: {  	[smem:$0x3FA9] =	sst s7  }
0x10: {  	[smem:$0x3FAA] =	sst s8  }
0x11: {  	[smem:$0x3FAB] =	sst s9;
	s0 =	simm.s32 @!p0 $0x0  }
0x12: {  	s1 =	sld [smem:$0x3F91];
	s0 =	simm.s32 @p0 $0x1  }
0x13: {  	[smem:$0x3FAC] =	sst s0;
	s0 =	simm.s32 @!p1 $0x0  }
0x14: {  	s2 =	sld [smem:$0x3F90];
	s0 =	simm.s32 @p1 $0x1  }
0x15: {  	[smem:$0x3FAD] =	sst s0;
	s0 =	simm.s32 @!p2 $0x0  }
0x16: {  	s3 =	sld [smem:$0x3FDB];
	s0 =	simm.s32 @p2 $0x1  }
0x17: {  	s4 =	simm.s32 $0x1BF5;
	[smem:$0x3FAF] =	sst s0  }
0x18: {  	s0 =	sld [smem:$0x3F92];
	_ =	swait.ge [sflag:s4], $0x0  }
0x19: {  	s7 =	sld [smem:$0x3F93]  }
0x1a: {  	s8 =	sadd.s32 $0xFFFFE003, lr  }
0x1b: {  	s9 =	sadd.s32 $0xFFFFFEF7, lr;
	s5 =	simm.s32 $0xFFFFFFFF;
	p2 =	slt.u32 s8, $0xFFFFF086  }
0x1c: {  	p1 =	slt.u32 s9, $0xF7A;
	s5 =	simm.s32 @!p2 $0x0  }
0x1d: {  	s5 =	simm.s32 @p1 $0x1;
	p0 =	seq.s32 s7, s2  }
0x1e: {  	s7 =	smul.u32 @!p0 $0xF7A, s2;
	p2 =	seq.s32 @!p0 s5, $0x0  }
0x1f: {  	s9 =	smul.u32 $0xF7A, s1;
	s8 =	simm.s32 @!p0 $0x1BF5;
	p2 =	por !p2, p0  }
0x20: {  	[sflag:s8] =	ssyncset.s32 @!p0 $0xFFFFF086;
	s6 =	sadd.s32 @!p0 s3, s7;
	s7 =	simm.s32 @!p0 $0x108  }
0x21: {  	s3 =	sadd.s32 s3, s9;
	s6 =	sadd.s32 @!p0 $0x88, s6;
	s7 =	simm.s32 @p2 $0x1082  }
0x22: {  	[simem:s7], [sflag:s8] =	dma.local @!p0 [hbm:s6], $0xF7A  }
0x23: {  	s9 =	sor.u32 $0xD0000000, s2;
	s6 =	simm.s32 $0x108;
	_ =	swait.ge @!p0 [sflag:s8], $0x0  }
0x24: {  	s3 =	sadd.s32 $0x88, s3;
	s6 =	simm.s32 @!p1 $0x1082;
	[sflag:s4] =	ssyncset.s32 $0xFFFFF086  }
0x25: {  	[simem:s6], [sflag:s4] =	dma.local [hbm:s3], $0xF7A  }
0x26: {  	[smem:$0x3F93] =	sst s1;
	(tag) =	ssettag s2;
	_ =	strace s9  }
0x27: {  	s1 =	sld [smem:$0x3FA3]  }
0x28: {  	s2 =	sld [smem:$0x3FA4]  }
0x29: {  	s4 =	sld [smem:$0x3FA6]  }
0x2a: {  	p0 =	seq.s32 s5, $0x0;
	s5 =	sld [smem:$0x3FA7]  }
0x2b: {  	s6 =	sld [smem:$0x3FA8]  }
0x2c: {  	s7 =	sld [smem:$0x3FA9]  }
0x2d: {  	s3 =	simm.s32 $0x108;
	s8 =	sld [smem:$0x3FAA]  }
0x2e: {  	s3 =	simm.s32 @!p0 $0x1082;
	s9 =	sld [smem:$0x3FAB]  }
0x2f: {  	lr =	sadd.s32 s0, s3;
	s0 =	sld [smem:$0x3FA2]  }
0x30: {  	s3 =	sld [smem:$0x3FA5]  }
0x31: {  	[smem:$0x3FAE] =	sst s10  }
0x32: {  	s10 =	sld [smem:$0x3FAC];
	_ =	sdelay $0x3  }
0x33: {  	p0 =	seq.s32 s10, $0x1;
	s10 =	sld [smem:$0x3FAE];
	_ =	sdelay $0x3  }
0x34: {  	[smem:$0x3FAE] =	sst s10  }
0x35: {  	s10 =	sld [smem:$0x3FAD];
	_ =	sdelay $0x3  }
0x36: {  	p1 =	seq.s32 s10, $0x1;
	s10 =	sld [smem:$0x3FAE];
	_ =	sdelay $0x3  }
0x37: {  	[smem:$0x3FAE] =	sst s10  }
0x38: {  	s10 =	sld [smem:$0x3FAF]  }
0x39: {  	_ = 	snop;
	(pc) =	sbr.ind lr, $3  }
0x3a: {  	_ = 	snop  }
0x3b: {  	_ = 	snop  }
0x3c: {  	p2 =	seq.s32 s10, $0x1;
	s10 =	sld [smem:$0x3FAE]  }
0x3d: {  	_ =	shalt  }
0x3e: {  	_ =	shalt  }
0x3f: {  	_ =	shalt  }
0x40: {  	_ =	shalt  }
0x41: {  	_ =	shalt  }
0x42: {  	_ =	shalt  }
0x43: {  	_ =	shalt  }
0x44: {  	_ =	shalt  }
0x45: {  	_ =	shalt  }
0x46: {  	_ =	shalt  }
0x47: {  	_ =	shalt  }
0x48: {  	_ =	shalt  }
0x49: {  	_ =	shalt  }
0x4a: {  	_ =	shalt  }
0x4b: {  	_ =	shalt  }
0x4c: {  	_ =	shalt  }
0x4d: {  	_ =	shalt  }
0x4e: {  	_ =	shalt  }
0x4f: {  	_ =	shalt  }
0x50: {  	_ =	shalt  }
0x51: {  	_ =	shalt  }
0x52: {  	_ =	shalt  }
0x53: {  	_ =	shalt  }
0x54: {  	_ =	shalt  }
0x55: {  	_ =	shalt  }
0x56: {  	_ =	shalt  }
0x57: {  	_ =	shalt  }
0x58: {  	_ =	shalt  }
0x59: {  	_ =	shalt  }
0x5a: {  	_ =	shalt  }
0x5b: {  	_ =	shalt  }
0x5c: {  	_ =	shalt  }
0x5d: {  	_ =	shalt  }
0x5e: {  	_ =	shalt  }
0x5f: {  	_ =	shalt  }
0x60: {  	_ =	shalt  }
0x61: {  	_ =	shalt  }
0x62: {  	_ =	shalt  }
0x63: {  	_ =	shalt  }
0x64: {  	_ =	shalt  }
0x65: {  	_ =	shalt  }
0x66: {  	_ =	shalt  }
0x67: {  	_ =	shalt  }
0x68: {  	_ =	shalt  }
0x69: {  	_ =	shalt  }
0x6a: {  	_ =	shalt  }
0x6b: {  	_ =	shalt  }
0x6c: {  	_ =	shalt  }
0x6d: {  	_ =	shalt  }
0x6e: {  	_ =	shalt  }
0x6f: {  	_ =	shalt  }
0x70: {  	_ =	shalt  }
0x71: {  	_ =	shalt  }
0x72: {  	_ =	shalt  }
0x73: {  	_ =	shalt  }
0x74: {  	_ =	shalt  }
0x75: {  	_ =	shalt  }
0x76: {  	_ =	shalt  }
0x77: {  	_ =	shalt  }
0x78: {  	_ =	shalt  }
0x79: {  	_ =	shalt  }
0x7a: {  	_ =	shalt  }
0x7b: {  	_ =	shalt  }
0x7c: {  	_ =	shalt  }
0x7d: {  	_ =	shalt  }
0x7e: {  	_ =	shalt  }
0x7f: {  	_ =	shalt  }
0x80: {  	_ =	shalt  }
0x81: {  	_ =	shalt  }
0x82: {  	_ =	shalt  }
0x83: {  	_ =	shalt  }
0x84: {  	_ =	shalt  }
0x85: {  	_ =	shalt  }
0x86: {  	_ =	shalt  }
0x87: {  	_ =	shalt  }
.Lfunc_end0:
.L_simem_size_0:
called_computation_lowered:
.L_overlay_start_0:
0x88: {  	s2 =	sld [smem:$0x3FD9]  }
0x89: {  	s3 =	sld [smem:$0x3FFE];
	_ =	sdelay $0x1  }
0x8a: {  	s1 =	srdreg.scid  }
0x8b: {  	s0 =	sand.u32 $0x1, s1  }
0x8c: {  	s17 =	sshll.u32 s0, $0xA;
	s2 =	sadd.s32 s3, s2  }
0x8d: {  	s2 =	sadd.s32 s2, s17  }
0x8e: {  	[smem:$0x3FBA] =	sst s2  }
0x8f: {  	_ = 	snop  }
0x90: {  	s2 =	sld [smem:$0x3FC9];
	(tm) =	ssettm $0x1  }
0x91: {  	s18 =	sld [smem:$0x3FFB];
	_ =	sdelay $0x3  }
0x92: {  	_ =	strace s18  }
0x93: {  	s3 =	sld [smem:$0x3FFC];
	_ =	sdelay $0x3  }
0x94: {  	_ =	strace s3  }
0x95: {  	s3 =	sld [smem:$0x3FFD];
	_ =	sdelay $0x3  }
0x96: {  	_ =	strace s3  }
0x97: {  	_ =	strace $0x8FFFFFFF  }
0x98: {  	s19 =	sld [smem:$0x3FDB];
	_ =	sdelay $0x1  }
0x99: {  	s4 =	simm.s32 $_scs_section_size  }
0x9a: {  	s5 =	simm.s32 $_size__tile_overlayer_lowered;
	s6 =	simm.s32 $_tile_overlayer_lowered  }
0x9b: {  	s22 =	simm.s32 $0x1BFF;
	s21 =	sshll.u32 s6, $0x1;
	s3 =	sadd.s32 s4, s19  }
0x9c: {  	s7 =	simm.s32 $0x0;
	s20 =	sshll.u32 s5, $0x1;
	s5 =	sadd.s32 s21, s3  }
0x9d: {  	[timem:s7], [sflag:s22] =	dma.local [hbm:s5], s20  }
0x9e: {  	_ =	swait.ge [sflag:s22], s20  }
0x9f: {  	s4 =	ssub.s32 $0x0, s20;
	[sflag:s22] =	ssyncset.done $0x0  }
0xa0: {  	[sflag:s22] =	ssyncadd.s32 s4;
	_ =	sdelay $0x1  }
0xa1: {  	s23 =	simm.s32 $0x1B8B  }
0xa2: {  	_ =	swait.ge [sflag:s23], $0x1  }
0xa3: {  	[sflag:s23] =	ssyncset.done $0x0  }
0xa4: {  	s25 =	simm.s32 $0x1B8E;
	s24 =	sld [smem:$0x3FFE];
	[sflag:s23] =	ssyncadd.s32 $0xFFFFFFFF  }
0xa5: {  	s26 =	simm.s32 $execute0_lowered;
	[smem:$0x3FD2] =	sst s25  }
0xa6: {  	s5 =	sshll.u32 s26, $0x1;
	_ =	strace $0x80000046;
	[dreg:$0x1] =	wrdreg $0xFFFFFFFF  }
0xa7: {  	s28 =	simm.s32 $_size_execute0_lowered;
	s3 =	sadd.s32 s3, s5;
	[dreg:$0x0] =	wrdreg $0x0  }
0xa8: {  	s5 =	sshll.u32 s28, $0x1;
	[dreg:$0x2] =	wrdreg s3  }
0xa9: {  	[dreg:$0x3] =	wrdreg s5  }
0xaa: {  	[dreg:$0x4] =	wrdreg $0xC0  }
0xab: {  	_ =	task [dreg:s7], $0x5FFFF  }
0xac: {  	[dreg:$0x1] =	wrdreg $0xFFFFFFFF  }
0xad: {  	[dreg:$0x0] =	wrdreg $0x60  }
0xae: {  	[dreg:$0x2] =	wrdreg s2  }
0xaf: {  	[dreg:$0x3] =	wrdreg s24  }
0xb0: {  	[dreg:$0x4] =	wrdreg $0x0  }
0xb1: {  	[dreg:$0x5] =	wrdreg $0x9  }
0xb2: {  	_ =	task.clear_ibuf [dreg:s7], $0x6FFFF;
	_ =	strace $0x90000046  }
0xb3: {  	s29 =	simm.s32 $0x9;
	_ =	strace $0x80000048  }
0xb4: {  	_ =	swait.ge [sflag:s29], $0x1  }
0xb5: {  	[sflag:s29] =	ssyncadd.s32 $0xFFFFFFFF  }
0xb6: {  	_ =	strace $0x90000048  }
0xb7: {  	_ =	sfence  }
0xb8: {  	s30 =	sld [smem:$0x0];
	_ =	sdelay $0x2  }
0xb9: {  	s31 =	sshll.u32 s1, $0xD;
	s1 =	sshrl.u32 s1, $0x2  }
0xba: {  	s3 =	sand.u32 $0x4000, s31;
	s1 =	sadd.s32 s1, s30  }
0xbb: {  	s0 =	sor.u32 s3, s0;
	s1 =	sshll.u32 s1, $0x11  }
0xbc: {  	s0 =	sor.u32 s1, s0  }
0xbd: {  	s0 =	sadd.s32 $0x8F2B, s0  }
0xbe: {  	[sflag:s0] =	ssyncadd.remote.s32 $0x1  }
0xbf: {  	_ =	sfence.sel $0xFFFF  }
0xc0: {  	[dreg:$0x0] =	wrdreg $0xFFFFFFFF;
	(pc) =	sbr.abs _section_cstart, $3  }
0xc1: {  	[dreg:$0x1] =	wrdreg $0xFFFFFFFF  }
0xc2: {  	_ =	task.clear_ibuf [dreg:s7], $0x2FFFF;
	_ =	strace $0x9FFFFFFF  }
0xc3: {  	(tm) =	ssettm $0x7FFFFFFF  }
tec
execute0_lowered:
.L_overlay_start_1:
0x0: {  	(tag) =	ssettag $0x1  }
0x1: {  	s1 =	rddreg [dreg:$0x0]  }
0x2: {  	s2 =	srdreg.scid;
	s6 =	rddreg [dreg:$0x1]  }
0x3: {  	s0 =	stileid.u32;
	s3 =	rddreg [dreg:$0x2];
	s4 =	simm.s32 $0x0  }
0x4: {  	s14 =	simm.s32 $0x17400;
	s15 =	simm.s32 $0x64;
	s16 =	simm.s32 $0x1A800  }
0x5: {  	s17 =	simm.s32 $0x1;
	s18 =	simm.s32 $0x0;
	s8 =	smul.u32 $0x14000, s0  }
0x6: {  	s5 =	sand.u32 $0x1, s2;
	s25 =	sshll.u32 s0, $0x1;
	s28 =	smul.u32 $0x50000, s0  }
0x7: {  	[smem:$0x7FF] =	sst s4;
	s2 =	sor.u32 s5, s25;
	s9 =	smul.u32 $0x140000, s5  }
0x8: {  	s31 =	sshll.u32 s0, $0x6;
	s5 =	ssub.s32 $0x2, s5;
	s7 =	smul.u32 $0x680, s2  }
0x9: {  	s2 =	rddreg [dreg:$0x3];
	_ =	strace $0x80000047;
	s26 =	sshrl.u32 s8, $0x3  }
0xa: {  	s29 =	sshrl.u32 s5, $0x1;
	s30 =	sshrl.u32 s28, $0x2;
	s8 =	sadd.s32 s8, s9  }
0xb: {  	s12 =	ssub.s32 s5, s29;
	s13 =	sadd.s32 s30, s3;
	s8 =	sshrl.u32 s8, $0x3  }
0xc: {  	s10 =	sadd.s32 s7, s6;
	s7 =	sadd.s32 s26, s6;
	s11 =	sadd.s32 s8, s6  }
0xd: {  	s5 =	sadd.s32 $0x1D200, s7;
	s6 =	sor.u32 $0x1C02, s31;
	s7 =	sadd.s32 $0x10200, s10  }
0xe: {  	s8 =	sadd.s32 $0x3200, s10;
	s10 =	smax.u32 s12, $0x1;
	s12 =	simm.s32 $0x2  }
0xf: {  	s9 =	sadd.s32 $0x45200, s11;
	s11 =	sshrl.u32 s13, $0x3;
	s13 =	simm.s32 $0x14000  }
.LBB2_1:
0x10: {  	[spmem:s11], [sflag:s6] =	dma.local [hbm:s5], $0x2800  }
0x11: {  	_ =	swait.ge [sflag:s12], $0x2800  }
0x12: {  	[sflag:s12] =	ssyncset.done $0x0  }
0x13: {  	[sflag:s12] =	ssyncadd.s32 $0xFFFFD800  }
0x14: {  	[tilespmem:s13], [sflag:$0x2] =	stream.linear.gather [hbm4b:s7+s4], $0x3200, $0x38;
	[tilespmem:$0x1DC00] =	vst v63  }
0x15: {  	_ =	swait.ge [sflag:s12], $0x3200  }
0x16: {  	[sflag:s12] =	ssyncset.done $0x0  }
0x17: {  	[sflag:s12] =	ssyncadd.s32 $0xFFFFCE00  }
0x18: {  	[tilespmem:s14], [sflag:$0x2] =	stream.linear.gather [hbm4b:s8+s4], $0x3200, $0x38;
	[tilespmem:$0x1DC00] =	vst v63  }
0x19: {  	_ =	swait.ge [sflag:s12], $0x3200  }
0x1a: {  	[sflag:s12] =	ssyncset.done $0x0  }
0x1b: {  	[sflag:s12] =	ssyncadd.s32 $0xFFFFCE00  }
0x1c: {  	s19 =	simm.s32 $0x14000;
	[bflag:$0x0] =	sbarrier.arrive $0xFFFF  }
0x1d: {  	[tilespmem:s16], [sflag:$0x1] =	stream.indirect.gather [hbm4b:s1+s15], $0x80, s19, s15, $0xb8;
	[tilespmem:$0x1DC00] =	vst v63  }
0x1e: {  	_ =	swait.ge [sflag:s17], $0x3200  }
0x1f: {  	[sflag:s17] =	ssyncset.done $0x0  }
0x20: {  	s31 =	simm.s32 $0x17400;
	[sflag:s17] =	ssyncadd.s32 $0xFFFFCE00  }
0x21: {  	[spmem:s3] =	stream.indirect.scatter.add.f32 [tilespmem:s16], [sflag:$0x2], $0x80, s31, s15, $0xb8;
	[tilespmem:$0x1DC00] =	vst v63  }
0x22: {  	_ =	swait.ge [sflag:s12], $0x3200  }
0x23: {  	s20 =	simm.s32 $0x400;
	s19 =	simm.s32 $0x80;
	[sflag:s12] =	ssyncset.done $0x0  }
.LBB2_2:
0x24: {  	s21 =	sadd.s32 $0x14000, s19  }
0x25: {  	[sflag:s12] =	ssyncadd.s32 $0xFFFFCE00;
	s22 =	smov.u32 s20;
	s23 =	sadd.s32 $0x200, s20  }
0x26: {  	[tilespmem:s16], [sflag:$0x1] =	stream.indirect.gather [hbm4b:s1+s15], $0x80, s21, s15, $0xb8;
	[tilespmem:$0x1DC00] =	vst v63  }
0x27: {  	p0 =	sne.s32 s20, $0xC600;
	_ =	swait.ge [sflag:s17], $0x3200  }
.Ltmp0:
0x28: {  	[sflag:s17] =	ssyncset.done $0x0;
	(pc) =	sbr.rel @p0 .LBB2_2-.Ltmp0, $4  }
0x29: {  	s19 =	sadd.s32 $0x17400, s19;
	[sflag:s17] =	ssyncadd.s32 $0xFFFFCE00  }
0x2a: {  	[spmem:s3] =	stream.indirect.scatter.add.f32 [tilespmem:s16], [sflag:$0x2], $0x80, s19, s15, $0xb8;
	[tilespmem:$0x1DC00] =	vst v63  }
0x2b: {  	_ =	swait.ge [sflag:s12], $0x3200  }
0x2c: {  	s20 =	smov.u32 s23;
	s19 =	sshra.s32 s22, $0x2;
	[sflag:s12] =	ssyncset.done $0x0  }
0x2d: {  	s20 =	sadd.s32 $0x14000, s19;
	[sflag:s12] =	ssyncadd.s32 $0xFFFFCE00  }
0x2e: {  	[tilespmem:s16], [sflag:$0x1] =	stream.indirect.gather [hbm4b:s1+s15], $0x80, s20, s15, $0xb8;
	[tilespmem:$0x1DC00] =	vst v63  }
0x2f: {  	_ =	swait.ge [sflag:s17], $0x3200  }
0x30: {  	[sflag:s17] =	ssyncset.done $0x0  }
0x31: {  	s31 =	sadd.s32 $0x17400, s19;
	[sflag:s17] =	ssyncadd.s32 $0xFFFFCE00  }
0x32: {  	[spmem:s3] =	stream.indirect.scatter.add.f32 [tilespmem:s16], [sflag:$0x2], $0x80, s31, s15, $0xb8;
	[tilespmem:$0x1DC00] =	vst v63  }
0x33: {  	_ =	swait.ge [sflag:s12], $0x3200  }
0x34: {  	s18 =	sadd.s32 $0x1, s18;
	[sflag:s12] =	ssyncset.done $0x0  }
0x35: {  	p0 =	sne.s32 s18, s10;
	[sflag:s12] =	ssyncadd.s32 $0xFFFFCE00  }
.Ltmp1:
0x36: {  	[bflag:$0x0] =	sbarrier.arrive $0xFFFF;
	(pc) =	sbr.rel @p0 .LBB2_1-.Ltmp1, $4  }
0x37: {  	[hbm:s9], [sflag:s6] =	dma.local [spmem:s11], $0x2800  }
0x38: {  	_ =	swait.ge [sflag:s12], $0x2800  }
0x39: {  	[sflag:s12] =	ssyncset.done $0x0  }
0x3a: {  	[sflag:s12] =	ssyncadd.s32 $0xFFFFD800  }
0x3b: {  	_ =	sfence.sel $0x180000  }
0x3c: {  	[bflag:$0x0] =	sbarrier.arrive $0xFFFF  }
0x3d: {  	p0 =	sne.s32 s0, $0x0;
	_ =	strace $0x90000047  }
0x3e: {  	s0 =	sadd.s32 @!p0 $0x100000, s2;
	[bflag:$0x2] =	sbarrier.arrive $0xFFFF  }
0x3f: {  	[sflag:s0] =	ssyncadd.tile.s32 @!p0 $0x1;
	_ =	shalt  }
.Lfunc_end2:
_tile_overlayer_lowered:
.L_overlay_start_2:
0x40: {  	(tag) =	ssettag $0x2  }
0x41: {  	s0 =	rddreg [dreg:$0x0];
	s2 =	stileid.u32  }
0x42: {  	s1 =	rddreg [dreg:$0x1];
	p0 =	sne.s32 s2, $0x0  }
0x43: {  	s3 =	rddreg [dreg:$0x2];
	[bflag:$0x3] =	sbarrier.arrive $0xFFFF;
	s2 =	simm.s32 @!p0 $0x1C02  }
0x44: {  	[timem:s3], [sflag:s2] =	dma.local @!p0 [hbm:s0], s1  }
0x45: {  	s0 =	simm.s32 @!p0 $0x2  }
0x46: {  	_ =	swait.ge @!p0 [sflag:s0], s1  }
0x47: {  	s1 =	ssub.s32 @!p0 $0x0, s1;
	[sflag:s0] =	ssyncset.done @!p0 $0x0  }
0x48: {  	[sflag:s0] =	ssyncadd.s32 @!p0 s1  }
0x49: {  	[bflag:$0x3] =	sbarrier.arrive $0xFFFF  }
0x4a: {  	_ =	shalt  }

</sc_bundles>
